<compile_context>
chip_gen: v7x
topology: tpu7x:2x2x1
jax: 0.10.2.dev20260603
libtpu: 0.0.44.dev20260713+nightly
codegen_flags: <defaults>
</compile_context>

<pallas_src>
import functools

import jax
import jax.numpy as jnp
from jax import lax
from jax.experimental import pallas as pl
from jax.experimental.pallas import tpu as pltpu
from jax.experimental.pallas import tpu_sc as plsc

N = 10000
E = 320000
D = 128

NC = 2
NS = 16
NW = NC * NS
NP = 10240
C = 32
SB = 16
TOTB = 320
NCHK = TOTB // SB
EB = NW * TOTB
L = 16
STRIPE = NP // NS


def _tc_proj_kernel(x_ref, wt_ref, b_ref, k_ref, q_ref, v_ref, s_ref):
  x = x_ref[...]
  outs = (k_ref, q_ref, v_ref, s_ref)
  for i, o_ref in enumerate(outs):
    y = jnp.dot(x, wt_ref[i], preferred_element_type=jnp.float32)
    y = y + b_ref[i][None, :]
    if i < 2:
      y = jnp.exp(-jnp.clip(y, -70.0, 70.0))
    o_ref[...] = y


def _tc_proj(xp, wt, b):
  br = 1024
  grid = (NP // br,)
  out = jax.ShapeDtypeStruct((NP, D), jnp.float32)
  return pl.pallas_call(
      _tc_proj_kernel,
      grid=grid,
      in_specs=[
          pl.BlockSpec((br, D), lambda i: (i, 0)),
          pl.BlockSpec((4, D, D), lambda i: (0, 0, 0)),
          pl.BlockSpec((4, D), lambda i: (0, 0)),
      ],
      out_specs=[pl.BlockSpec((br, D), lambda i: (i, 0))] * 4,
      out_shape=[out] * 4,
  )(xp, wt, b)


def _tc_combine_kernel(p_ref, s_ref, o_ref):
  o_ref[...] = p_ref[0] + p_ref[1] + s_ref[...]


def _tc_combine(part, skip):
  br = 1024
  return pl.pallas_call(
      _tc_combine_kernel,
      grid=(NP // br,),
      in_specs=[
          pl.BlockSpec((2, br, D), lambda i: (0, i, 0)),
          pl.BlockSpec((br, D), lambda i: (i, 0)),
      ],
      out_specs=pl.BlockSpec((br, D), lambda i: (i, 0)),
      out_shape=jax.ShapeDtypeStruct((NP, D), jnp.float32),
  )(part, skip)


def _sc_edge_kernel(ek_hbm, eq_hbm, v_hbm, src2, dst2,
                    part_hbm, sbuf, dbuf, scidx, ekb, eqb, vb, msg,
                    agg_sh, ssem, gsem, csem):
  sid = lax.axis_index("s")
  cid = lax.axis_index("c")
  wid = sid * NC + cid
  rbase = wid * TOTB

  zf = jnp.zeros((L,), jnp.float32)

  def zrow(r, _):
    for j in range(D // L):
      msg[0, r, pl.ds(j * L, L)] = zf
    return 0

  lax.fori_loop(0, C, zrow, 0)
  for s in range(STRIPE // C):
    pltpu.sync_copy(msg.at[0], agg_sh.at[pl.ds(sid * STRIPE + s * C, C)])
  plsc.subcore_barrier()

  pltpu.async_copy(src2.at[pl.ds(rbase, SB)], sbuf.at[0], ssem.at[0])
  pltpu.async_copy(dst2.at[pl.ds(rbase, SB)], dbuf.at[0], ssem.at[0])

  magic = jnp.full((L,), 0x7EF127EA, jnp.int32)

  def gblk(g, _):
    p = lax.rem(g, 2)
    ck = g // SB
    pc = lax.rem(ck, 2)
    r = lax.rem(g, SB)

    @pl.when((r == 0) & (g < TOTB))
    def _():
      pltpu.make_async_copy(src2.at[pl.ds(0, SB)], sbuf.at[pc],
                            ssem.at[pc]).wait()
      pltpu.make_async_copy(dst2.at[pl.ds(0, SB)], dbuf.at[pc],
                            ssem.at[pc]).wait()

    @pl.when(g < TOTB)
    def _():
      pltpu.async_copy(ek_hbm.at[dbuf.at[pc, r]], ekb.at[p], gsem.at[p])
      pltpu.async_copy(eq_hbm.at[sbuf.at[pc, r]], eqb.at[p], gsem.at[p])
      pltpu.async_copy(v_hbm.at[sbuf.at[pc, r]], vb.at[p], gsem.at[p])

    @pl.when(g > 0)
    def _():
      gp = g - 1
      pp = 1 - p
      ckp = lax.rem(gp // SB, 2)
      rp = lax.rem(gp, SB)
      pltpu.make_async_copy(ek_hbm.at[dbuf.at[0, 0]], ekb.at[pp],
                            gsem.at[pp]).wait()
      pltpu.make_async_copy(eq_hbm.at[sbuf.at[0, 0]], eqb.at[pp],
                            gsem.at[pp]).wait()
      pltpu.make_async_copy(v_hbm.at[sbuf.at[0, 0]], vb.at[pp],
                            gsem.at[pp]).wait()

      @pl.when((r == 1) & (ck + 1 < NCHK))
      def _():
        pltpu.async_copy(src2.at[pl.ds(rbase + (ck + 1) * SB, SB)],
                         sbuf.at[1 - pc], ssem.at[1 - pc])
        pltpu.async_copy(dst2.at[pl.ds(rbase + (ck + 1) * SB, SB)],
                         dbuf.at[1 - pc], ssem.at[1 - pc])

      @pl.when(gp >= 2)
      def _():
        pltpu.make_async_copy(msg.at[pp], agg_sh.at[scidx.at[pp]],
                              csem.at[pp]).wait()

      for i in range(C // L):
        scidx[pp, pl.ds(i * L, L)] = dbuf[ckp, rp, pl.ds(i * L, L)]

      JV = D // L

      def edge(e, _):
        eks = [ekb[pp, e, pl.ds(j * L, L)] for j in range(JV)]
        eqs = [eqb[pp, e, pl.ds(j * L, L)] for j in range(JV)]
        xs = [1.0 + jnp.minimum(a * q, 1e30) for a, q in zip(eks, eqs)]
        ys = [plsc.bitcast(magic - plsc.bitcast(x, jnp.int32), jnp.float32)
              for x in xs]
        for _ in range(2):
          ts = [x * y for x, y in zip(xs, ys)]
          us = [2.0 - t for t in ts]
          ys = [y * u for y, u in zip(ys, us)]
        vs = [vb[pp, e, pl.ds(j * L, L)] for j in range(JV)]
        ms = [y * v for y, v in zip(ys, vs)]
        for j in range(JV):
          msg[pp, e, pl.ds(j * L, L)] = ms[j]
        return 0

      lax.fori_loop(0, C, edge, 0)

      pltpu.async_copy(msg.at[pp], agg_sh.at[scidx.at[pp]], csem.at[pp],
                       add=True)

    return 0

  lax.fori_loop(0, TOTB + 1, gblk, 0)

  pltpu.make_async_copy(msg.at[0], agg_sh.at[scidx.at[0]], csem.at[0]).wait()
  pltpu.make_async_copy(msg.at[1], agg_sh.at[scidx.at[1]], csem.at[1]).wait()
  plsc.subcore_barrier()

  pltpu.sync_copy(agg_sh.at[pl.ds(sid * STRIPE, STRIPE)],
                  part_hbm.at[cid, pl.ds(sid * STRIPE, STRIPE)])


def _sc_edge(ek, eq, v, src2, dst2):
  mesh = plsc.VectorSubcoreMesh(
      core_axis_name="c", subcore_axis_name="s",
      num_cores=NC, num_subcores=NS)
  f = functools.partial(
      pl.kernel,
      out_type=jax.ShapeDtypeStruct((NC, NP, D), jnp.float32),
      mesh=mesh,
      compiler_params=pltpu.CompilerParams(needs_layout_passes=False),
      scratch_types=[
          pltpu.VMEM((2, SB, C), jnp.int32),
          pltpu.VMEM((2, SB, C), jnp.int32),
          pltpu.VMEM((2, C), jnp.int32),
          pltpu.VMEM((2, C, D), jnp.float32),
          pltpu.VMEM((2, C, D), jnp.float32),
          pltpu.VMEM((2, C, D), jnp.float32),
          pltpu.VMEM((2, C, D), jnp.float32),
          pltpu.VMEM_SHARED((NP, D), jnp.float32),
          pltpu.SemaphoreType.DMA((2,)),
          pltpu.SemaphoreType.DMA((2,)),
          pltpu.SemaphoreType.DMA((2,)),
      ],
  )(_sc_edge_kernel)
  return f(ek, eq, v, src2, dst2)


@jax.jit
def kernel(x, edge_index, edge_attr, Wk, bk, Wq, bq, Wv, bv, Wskip, bias):
  del edge_attr
  xp = jnp.pad(x, ((0, NP - N), (0, 0)))
  wt = jnp.stack([Wk.T, Wq.T, Wv.T, Wskip.T])
  b = jnp.stack([bk, bq, bv, bias])
  ek, eq, v, skip = _tc_proj(xp, wt, b)
  src = edge_index[0].astype(jnp.int32)
  dst = edge_index[1].astype(jnp.int32)
  pad = EB * C - E
  src2 = jnp.pad(src, (0, pad)).reshape(EB, C)
  dst2 = jnp.pad(dst, (0, pad), constant_values=N).reshape(EB, C)
  part = _sc_edge(ek, eq, v, src2, dst2)
  out = _tc_combine(part, skip)
  return out[:N]

# --- scband reference (transcript-rebuilt; emitter-appended) ---
"""Pipeline reference for scband-res-gated-graph-conv-10995116277968 (READ-ONLY COPY).

The authoritative reference and input builder live on the scoring server;
editing this copy changes nothing except your own understanding.
"""

import jax, jax.numpy as jnp
import numpy as np

N = 10000
E = 320000
D_IN = 128
D_OUT = 128
D_EDGE = 4

def setup_inputs(seed: int = 0) -> dict:
    key = jax.random.key(seed)
    ks = jax.random.split(key, 12)
    s = 1.0 / np.sqrt(D_IN)
    x = jax.random.normal(ks[0], (N, D_IN), dtype=jnp.float32)
    edge_index = jax.random.randint(ks[1], (2, E), 0, N, dtype=jnp.int64)
    edge_attr = jax.random.normal(ks[2], (E, D_EDGE), dtype=jnp.float32)
    Wk = jax.random.uniform(ks[3], (D_OUT, D_IN), minval=-s, maxval=s, dtype=jnp.float32)
    bk = jax.random.uniform(ks[4], (D_OUT,), minval=-s, maxval=s, dtype=jnp.float32)
    Wq = jax.random.uniform(ks[5], (D_OUT, D_IN), minval=-s, maxval=s, dtype=jnp.float32)
    bq = jax.random.uniform(ks[6], (D_OUT,), minval=-s, maxval=s, dtype=jnp.float32)
    Wv = jax.random.uniform(ks[7], (D_OUT, D_IN), minval=-s, maxval=s, dtype=jnp.float32)
    bv = jax.random.uniform(ks[8], (D_OUT,), minval=-s, maxval=s, dtype=jnp.float32)
    Wskip = jax.random.uniform(ks[9], (D_OUT, D_IN), minval=-s, maxval=s, dtype=jnp.float32)
    bias = jax.random.uniform(ks[10], (D_OUT,), minval=-s, maxval=s, dtype=jnp.float32)
    return {"x": x, "edge_index": edge_index, "edge_attr": edge_attr,
            "Wk": Wk, "bk": bk, "Wq": Wq, "bq": bq, "Wv": Wv, "bv": bv,
            "Wskip": Wskip, "bias": bias}

def reference(x, edge_index, edge_attr, Wk, bk, Wq, bq, Wv, bv, Wskip, bias):
    # PyG ResGatedGraphConv (edge_attr is ignored by the wrapper's forward):
    # out_i = sum_{j in N(i)} sigmoid(k_i + q_j) * v_j + lin_skip(x_i) + bias
    src = edge_index[0]  # j (source)
    dst = edge_index[1]  # i (target)
    k = x @ Wk.T + bk
    q = x @ Wq.T + bq
    v = x @ Wv.T + bv
    gate = jax.nn.sigmoid(jnp.take(k, dst, axis=0) + jnp.take(q, src, axis=0))
    msg = gate * jnp.take(v, src, axis=0)
    agg = jax.ops.segment_sum(msg, dst, num_segments=x.shape[0])
    out = agg + x @ Wskip.T + bias
    return out

if __name__ == "__main__":
    import jax
    _d = setup_inputs()
    print(jax.jit(kernel)(*tuple(_d.values())))

</pallas_src>

<mosaic_0001>
#map = affine_map<(d0, d1) -> (0, 0)>
#map1 = affine_map<(d0, d1) -> (0, 0, 0)>
module attributes {stable_mosaic.version = 14 : i64} {
  func.func @_sc_edge_kernel(%arg0: i32, %arg1: i32, %arg2: memref<10240x128xf32, #tpu.memory_space<hbm>>, %arg3: memref<10240x128xf32, #tpu.memory_space<hbm>>, %arg4: memref<10240x128xf32, #tpu.memory_space<hbm>>, %arg5: memref<10240x32xi32, #tpu.memory_space<hbm>>, %arg6: memref<10240x32xi32, #tpu.memory_space<hbm>>, %arg7: memref<2x10240x128xf32, #tpu.memory_space<hbm>>, %arg8: memref<2x16x32xi32, #tpu.memory_space<vmem>>, %arg9: memref<2x16x32xi32, #tpu.memory_space<vmem>>, %arg10: memref<2x32xi32, #tpu.memory_space<vmem>>, %arg11: memref<2x32x128xf32, #tpu.memory_space<vmem>>, %arg12: memref<2x32x128xf32, #tpu.memory_space<vmem>>, %arg13: memref<2x32x128xf32, #tpu.memory_space<vmem>>, %arg14: memref<2x32x128xf32, #tpu.memory_space<vmem>>, %arg15: memref<10240x128xf32, #tpu.memory_space<vmem_shared>>, %arg16: memref<2x!tpu.dma_semaphore, #tpu.memory_space<semaphore_mem>>, %arg17: memref<2x!tpu.dma_semaphore, #tpu.memory_space<semaphore_mem>>, %arg18: memref<2x!tpu.dma_semaphore, #tpu.memory_space<semaphore_mem>>) attributes {dimension_semantics = [#tpu.dimension_semantics<core_parallel>, #tpu.dimension_semantics<subcore_parallel>], iteration_bounds = array<i64: 2, 16>, scalar_prefetch = 0 : i64, scratch_operands = 11 : i64, tpu.core_type = #tpu.core_type<sc_vector_subcore>, window_params = [{transform_indices = #map}, {transform_indices = #map}, {transform_indices = #map}, {transform_indices = #map}, {transform_indices = #map}, {transform_indices = #map1}]} {
    %mul3A = arith.constant 2 : i32
    %mul3A_0 = arith.muli %arg1, %mul3A : i32
    %add3A = arith.addi %mul3A_0, %arg0 : i32
    %mul3A_1 = arith.constant 320 : i32
    %mul3A_2 = arith.muli %add3A, %mul3A_1 : i32
    %broadcast_in_dim3A = arith.constant 0.000000e+00 : f32
    %broadcast_in_dim3A_3 = vector.broadcast %broadcast_in_dim3A : f32 to vector<16xf32>
    %scan3A = arith.constant 0 : i32
    %scan3A_4 = arith.constant 0 : i32
    %scan3A_5 = arith.constant 32 : i32
    %scan3A_6 = arith.addi %scan3A_4, %scan3A_5 : i32
    %scan3A_7 = arith.constant 1 : i32
    %scan3A_8 = scf.for %scan3A_183 = %scan3A_4 to %scan3A_6 step %scan3A_7 iter_args(%scan3A_184 = %scan3A) -> (i32)  : i32 {
      %swap3A = arith.constant 0 : i32
      %swap3A_185 = arith.index_cast %swap3A : i32 to index
      %swap3A_186 = arith.index_cast %scan3A_183 : i32 to index
      %swap3A_187 = arith.constant 0 : index
      %swap3A_188 = tpu.vector_load %arg14[%swap3A_185, %swap3A_186, %swap3A_187] {strides = array<i32>} : memref<2x32x128xf32, #tpu.memory_space<vmem>>, vector<16xf32>,
      tpu.vector_store %arg14[%swap3A_185, %swap3A_186, %swap3A_187], %broadcast_in_dim3A_3 {strides = array<i32>} : memref<2x32x128xf32, #tpu.memory_space<vmem>>, vector<16xf32>,
      %swap3A_189 = arith.constant 0 : i32
      %swap3A_190 = arith.index_cast %swap3A_189 : i32 to index
      %swap3A_191 = arith.index_cast %scan3A_183 : i32 to index
      %swap3A_192 = arith.constant 16 : index
      %swap3A_193 = tpu.vector_load %arg14[%swap3A_190, %swap3A_191, %swap3A_192] {strides = array<i32>} : memref<2x32x128xf32, #tpu.memory_space<vmem>>, vector<16xf32>,
      tpu.vector_store %arg14[%swap3A_190, %swap3A_191, %swap3A_192], %broadcast_in_dim3A_3 {strides = array<i32>} : memref<2x32x128xf32, #tpu.memory_space<vmem>>, vector<16xf32>,
      %swap3A_194 = arith.constant 0 : i32
      %swap3A_195 = arith.index_cast %swap3A_194 : i32 to index
      %swap3A_196 = arith.index_cast %scan3A_183 : i32 to index
      %swap3A_197 = arith.constant 32 : index
      %swap3A_198 = tpu.vector_load %arg14[%swap3A_195, %swap3A_196, %swap3A_197] {strides = array<i32>} : memref<2x32x128xf32, #tpu.memory_space<vmem>>, vector<16xf32>,
      tpu.vector_store %arg14[%swap3A_195, %swap3A_196, %swap3A_197], %broadcast_in_dim3A_3 {strides = array<i32>} : memref<2x32x128xf32, #tpu.memory_space<vmem>>, vector<16xf32>,
      %swap3A_199 = arith.constant 0 : i32
      %swap3A_200 = arith.index_cast %swap3A_199 : i32 to index
      %swap3A_201 = arith.index_cast %scan3A_183 : i32 to index
      %swap3A_202 = arith.constant 48 : index
      %swap3A_203 = tpu.vector_load %arg14[%swap3A_200, %swap3A_201, %swap3A_202] {strides = array<i32>} : memref<2x32x128xf32, #tpu.memory_space<vmem>>, vector<16xf32>,
      tpu.vector_store %arg14[%swap3A_200, %swap3A_201, %swap3A_202], %broadcast_in_dim3A_3 {strides = array<i32>} : memref<2x32x128xf32, #tpu.memory_space<vmem>>, vector<16xf32>,
      %swap3A_204 = arith.constant 0 : i32
      %swap3A_205 = arith.index_cast %swap3A_204 : i32 to index
      %swap3A_206 = arith.index_cast %scan3A_183 : i32 to index
      %swap3A_207 = arith.constant 64 : index
      %swap3A_208 = tpu.vector_load %arg14[%swap3A_205, %swap3A_206, %swap3A_207] {strides = array<i32>} : memref<2x32x128xf32, #tpu.memory_space<vmem>>, vector<16xf32>,
      tpu.vector_store %arg14[%swap3A_205, %swap3A_206, %swap3A_207], %broadcast_in_dim3A_3 {strides = array<i32>} : memref<2x32x128xf32, #tpu.memory_space<vmem>>, vector<16xf32>,
      %swap3A_209 = arith.constant 0 : i32
      %swap3A_210 = arith.index_cast %swap3A_209 : i32 to index
      %swap3A_211 = arith.index_cast %scan3A_183 : i32 to index
      %swap3A_212 = arith.constant 80 : index
      %swap3A_213 = tpu.vector_load %arg14[%swap3A_210, %swap3A_211, %swap3A_212] {strides = array<i32>} : memref<2x32x128xf32, #tpu.memory_space<vmem>>, vector<16xf32>,
      tpu.vector_store %arg14[%swap3A_210, %swap3A_211, %swap3A_212], %broadcast_in_dim3A_3 {strides = array<i32>} : memref<2x32x128xf32, #tpu.memory_space<vmem>>, vector<16xf32>,
      %swap3A_214 = arith.constant 0 : i32
      %swap3A_215 = arith.index_cast %swap3A_214 : i32 to index
      %swap3A_216 = arith.index_cast %scan3A_183 : i32 to index
      %swap3A_217 = arith.constant 96 : index
      %swap3A_218 = tpu.vector_load %arg14[%swap3A_215, %swap3A_216, %swap3A_217] {strides = array<i32>} : memref<2x32x128xf32, #tpu.memory_space<vmem>>, vector<16xf32>,
      tpu.vector_store %arg14[%swap3A_215, %swap3A_216, %swap3A_217], %broadcast_in_dim3A_3 {strides = array<i32>} : memref<2x32x128xf32, #tpu.memory_space<vmem>>, vector<16xf32>,
      %swap3A_219 = arith.constant 0 : i32
      %swap3A_220 = arith.index_cast %swap3A_219 : i32 to index
      %swap3A_221 = arith.index_cast %scan3A_183 : i32 to index
      %swap3A_222 = arith.constant 112 : index
      %swap3A_223 = tpu.vector_load %arg14[%swap3A_220, %swap3A_221, %swap3A_222] {strides = array<i32>} : memref<2x32x128xf32, #tpu.memory_space<vmem>>, vector<16xf32>,
      tpu.vector_store %arg14[%swap3A_220, %swap3A_221, %swap3A_222], %broadcast_in_dim3A_3 {strides = array<i32>} : memref<2x32x128xf32, #tpu.memory_space<vmem>>, vector<16xf32>,
      %scan3A_224 = arith.constant 0 : i32
      scf.yield %scan3A_224 : i32
    }
    %scan3A_9 = arith.constant 32 : i32
    %mul3A_10 = arith.constant 640 : i32
    %mul3A_11 = arith.muli %arg1, %mul3A_10 : i32
    %add3A_12 = arith.constant 0 : i32
    %add3A_13 = arith.addi %mul3A_11, %add3A_12 : i32
    %run_scoped3A = arith.constant 0 : i32
    "tpu.region"() ({
      %run_scoped3A_183 = tpu.sem_alloc : memref<!tpu.dma_semaphore, #tpu.memory_space<semaphore_mem>>
      %dma_start3A_184 = arith.constant 0 : i32
      %dma_start3A_185 = arith.constant 0 : i32
      %dma_start3A_186 = tpu.memref_slice %arg14[%run_scoped3A, %dma_start3A_184, %dma_start3A_185] : memref<2x32x128xf32, #tpu.memory_space<vmem>> -> memref<1x32x128xf32, #tpu.memory_space<vmem>>
      %dma_start3A_187 = tpu.memref_squeeze %dma_start3A_186 : memref<1x32x128xf32, #tpu.memory_space<vmem>> -> memref<32x128xf32, #tpu.memory_space<vmem>>
      %dma_start3A_188 = arith.constant 0 : i32
      %dma_start3A_189 = tpu.memref_slice %arg15[%add3A_13, %dma_start3A_188] : memref<10240x128xf32, #tpu.memory_space<vmem_shared>> -> memref<32x128xf32, #tpu.memory_space<vmem_shared>>
      %dma_start3A_190 = arith.constant 0 : i32
      %dma_start3A_191 = tpu.memref_slice %arg15[%add3A_13, %dma_start3A_190] : memref<10240x128xf32, #tpu.memory_space<vmem_shared>> -> memref<32x128xf32, #tpu.memory_space<vmem_shared>>
      %dma_start3A_192 = arith.constant 0 : i32
      %dma_start3A_193 = arith.constant 0 : i32
      %dma_start3A_194 = tpu.memref_slice %arg14[%run_scoped3A, %dma_start3A_192, %dma_start3A_193] : memref<2x32x128xf32, #tpu.memory_space<vmem>> -> memref<1x32x128xf32, #tpu.memory_space<vmem>>
      %dma_start3A_195 = tpu.memref_squeeze %dma_start3A_194 : memref<1x32x128xf32, #tpu.memory_space<vmem>> -> memref<32x128xf32, #tpu.memory_space<vmem>>
      tpu.enqueue_dma source(%dma_start3A_195 : memref<32x128xf32, #tpu.memory_space<vmem>>) target(%dma_start3A_191 : memref<32x128xf32, #tpu.memory_space<vmem_shared>>) target_semaphore(%run_scoped3A_183 : memref<!tpu.dma_semaphore, #tpu.memory_space<semaphore_mem>>)
      %dma_wait3A_196 = arith.constant 0 : i32
      %dma_wait3A_197 = arith.constant 0 : i32
      %dma_wait3A_198 = tpu.memref_slice %arg14[%run_scoped3A, %dma_wait3A_196, %dma_wait3A_197] : memref<2x32x128xf32, #tpu.memory_space<vmem>> -> memref<1x32x128xf32, #tpu.memory_space<vmem>>
      %dma_wait3A_199 = tpu.memref_squeeze %dma_wait3A_198 : memref<1x32x128xf32, #tpu.memory_space<vmem>> -> memref<32x128xf32, #tpu.memory_space<vmem>>
      %dma_wait3A_200 = arith.constant 0 : i32
      %dma_wait3A_201 = tpu.memref_slice %arg15[%add3A_13, %dma_wait3A_200] : memref<10240x128xf32, #tpu.memory_space<vmem_shared>> -> memref<32x128xf32, #tpu.memory_space<vmem_shared>>
      %dma_wait3A_202 = arith.constant 0 : i32
      %dma_wait3A_203 = tpu.memref_slice %arg15[%add3A_13, %dma_wait3A_202] : memref<10240x128xf32, #tpu.memory_space<vmem_shared>> -> memref<32x128xf32, #tpu.memory_space<vmem_shared>>
      %dma_wait3A_204 = arith.constant 0 : i32
      %dma_wait3A_205 = arith.constant 0 : i32
      %dma_wait3A_206 = tpu.memref_slice %arg14[%run_scoped3A, %dma_wait3A_204, %dma_wait3A_205] : memref<2x32x128xf32, #tpu.memory_space<vmem>> -> memref<1x32x128xf32, #tpu.memory_space<vmem>>
      %dma_wait3A_207 = tpu.memref_squeeze %dma_wait3A_206 : memref<1x32x128xf32, #tpu.memory_space<vmem>> -> memref<32x128xf32, #tpu.memory_space<vmem>>
      tpu.wait_dma2 semaphore(%run_scoped3A_183 : memref<!tpu.dma_semaphore, #tpu.memory_space<semaphore_mem>>) src(%dma_wait3A_207 : memref<32x128xf32, #tpu.memory_space<vmem>>) dst(%dma_wait3A_203 : memref<32x128xf32, #tpu.memory_space<vmem_shared>>)
      tpu.yield
    }) : () -> ()
    %mul3A_14 = arith.constant 640 : i32
    %mul3A_15 = arith.muli %arg1, %mul3A_14 : i32
    %add3A_16 = arith.constant 32 : i32
    %add3A_17 = arith.addi %mul3A_15, %add3A_16 : i32
    %run_scoped3A_18 = arith.constant 0 : i32
    "tpu.region"() ({
      %run_scoped3A_183 = tpu.sem_alloc : memref<!tpu.dma_semaphore, #tpu.memory_space<semaphore_mem>>
      %dma_start3A_184 = arith.constant 0 : i32
      %dma_start3A_185 = arith.constant 0 : i32
      %dma_start3A_186 = tpu.memref_slice %arg14[%run_scoped3A_18, %dma_start3A_184, %dma_start3A_185] : memref<2x32x128xf32, #tpu.memory_space<vmem>> -> memref<1x32x128xf32, #tpu.memory_space<vmem>>
      %dma_start3A_187 = tpu.memref_squeeze %dma_start3A_186 : memref<1x32x128xf32, #tpu.memory_space<vmem>> -> memref<32x128xf32, #tpu.memory_space<vmem>>
      %dma_start3A_188 = arith.constant 0 : i32
      %dma_start3A_189 = tpu.memref_slice %arg15[%add3A_17, %dma_start3A_188] : memref<10240x128xf32, #tpu.memory_space<vmem_shared>> -> memref<32x128xf32, #tpu.memory_space<vmem_shared>>
      %dma_start3A_190 = arith.constant 0 : i32
      %dma_start3A_191 = tpu.memref_slice %arg15[%add3A_17, %dma_start3A_190] : memref<10240x128xf32, #tpu.memory_space<vmem_shared>> -> memref<32x128xf32, #tpu.memory_space<vmem_shared>>
      %dma_start3A_192 = arith.constant 0 : i32
      %dma_start3A_193 = arith.constant 0 : i32
      %dma_start3A_194 = tpu.memref_slice %arg14[%run_scoped3A_18, %dma_start3A_192, %dma_start3A_193] : memref<2x32x128xf32, #tpu.memory_space<vmem>> -> memref<1x32x128xf32, #tpu.memory_space<vmem>>
      %dma_start3A_195 = tpu.memref_squeeze %dma_start3A_194 : memref<1x32x128xf32, #tpu.memory_space<vmem>> -> memref<32x128xf32, #tpu.memory_space<vmem>>
      tpu.enqueue_dma source(%dma_start3A_195 : memref<32x128xf32, #tpu.memory_space<vmem>>) target(%dma_start3A_191 : memref<32x128xf32, #tpu.memory_space<vmem_shared>>) target_semaphore(%run_scoped3A_183 : memref<!tpu.dma_semaphore, #tpu.memory_space<semaphore_mem>>)
      %dma_wait3A_196 = arith.constant 0 : i32
      %dma_wait3A_197 = arith.constant 0 : i32
      %dma_wait3A_198 = tpu.memref_slice %arg14[%run_scoped3A_18, %dma_wait3A_196, %dma_wait3A_197] : memref<2x32x128xf32, #tpu.memory_space<vmem>> -> memref<1x32x128xf32, #tpu.memory_space<vmem>>
      %dma_wait3A_199 = tpu.memref_squeeze %dma_wait3A_198 : memref<1x32x128xf32, #tpu.memory_space<vmem>> -> memref<32x128xf32, #tpu.memory_space<vmem>>
      %dma_wait3A_200 = arith.constant 0 : i32
      %dma_wait3A_201 = tpu.memref_slice %arg15[%add3A_17, %dma_wait3A_200] : memref<10240x128xf32, #tpu.memory_space<vmem_shared>> -> memref<32x128xf32, #tpu.memory_space<vmem_shared>>
      %dma_wait3A_202 = arith.constant 0 : i32
      %dma_wait3A_203 = tpu.memref_slice %arg15[%add3A_17, %dma_wait3A_202] : memref<10240x128xf32, #tpu.memory_space<vmem_shared>> -> memref<32x128xf32, #tpu.memory_space<vmem_shared>>
      %dma_wait3A_204 = arith.constant 0 : i32
      %dma_wait3A_205 = arith.constant 0 : i32
      %dma_wait3A_206 = tpu.memref_slice %arg14[%run_scoped3A_18, %dma_wait3A_204, %dma_wait3A_205] : memref<2x32x128xf32, #tpu.memory_space<vmem>> -> memref<1x32x128xf32, #tpu.memory_space<vmem>>
      %dma_wait3A_207 = tpu.memref_squeeze %dma_wait3A_206 : memref<1x32x128xf32, #tpu.memory_space<vmem>> -> memref<32x128xf32, #tpu.memory_space<vmem>>
      tpu.wait_dma2 semaphore(%run_scoped3A_183 : memref<!tpu.dma_semaphore, #tpu.memory_space<semaphore_mem>>) src(%dma_wait3A_207 : memref<32x128xf32, #tpu.memory_space<vmem>>) dst(%dma_wait3A_203 : memref<32x128xf32, #tpu.memory_space<vmem_shared>>)
      tpu.yield
    }) : () -> ()
    %mul3A_19 = arith.constant 640 : i32
    %mul3A_20 = arith.muli %arg1, %mul3A_19 : i32
    %add3A_21 = arith.constant 64 : i32
    %add3A_22 = arith.addi %mul3A_20, %add3A_21 : i32
    %run_scoped3A_23 = arith.constant 0 : i32
    "tpu.region"() ({
      %run_scoped3A_183 = tpu.sem_alloc : memref<!tpu.dma_semaphore, #tpu.memory_space<semaphore_mem>>
      %dma_start3A_184 = arith.constant 0 : i32
      %dma_start3A_185 = arith.constant 0 : i32
      %dma_start3A_186 = tpu.memref_slice %arg14[%run_scoped3A_23, %dma_start3A_184, %dma_start3A_185] : memref<2x32x128xf32, #tpu.memory_space<vmem>> -> memref<1x32x128xf32, #tpu.memory_space<vmem>>
      %dma_start3A_187 = tpu.memref_squeeze %dma_start3A_186 : memref<1x32x128xf32, #tpu.memory_space<vmem>> -> memref<32x128xf32, #tpu.memory_space<vmem>>
      %dma_start3A_188 = arith.constant 0 : i32
      %dma_start3A_189 = tpu.memref_slice %arg15[%add3A_22, %dma_start3A_188] : memref<10240x128xf32, #tpu.memory_space<vmem_shared>> -> memref<32x128xf32, #tpu.memory_space<vmem_shared>>
      %dma_start3A_190 = arith.constant 0 : i32
      %dma_start3A_191 = tpu.memref_slice %arg15[%add3A_22, %dma_start3A_190] : memref<10240x128xf32, #tpu.memory_space<vmem_shared>> -> memref<32x128xf32, #tpu.memory_space<vmem_shared>>
      %dma_start3A_192 = arith.constant 0 : i32
      %dma_start3A_193 = arith.constant 0 : i32
      %dma_start3A_194 = tpu.memref_slice %arg14[%run_scoped3A_23, %dma_start3A_192, %dma_start3A_193] : memref<2x32x128xf32, #tpu.memory_space<vmem>> -> memref<1x32x128xf32, #tpu.memory_space<vmem>>
      %dma_start3A_195 = tpu.memref_squeeze %dma_start3A_194 : memref<1x32x128xf32, #tpu.memory_space<vmem>> -> memref<32x128xf32, #tpu.memory_space<vmem>>
      tpu.enqueue_dma source(%dma_start3A_195 : memref<32x128xf32, #tpu.memory_space<vmem>>) target(%dma_start3A_191 : memref<32x128xf32, #tpu.memory_space<vmem_shared>>) target_semaphore(%run_scoped3A_183 : memref<!tpu.dma_semaphore, #tpu.memory_space<semaphore_mem>>)
      %dma_wait3A_196 = arith.constant 0 : i32
      %dma_wait3A_197 = arith.constant 0 : i32
      %dma_wait3A_198 = tpu.memref_slice %arg14[%run_scoped3A_23, %dma_wait3A_196, %dma_wait3A_197] : memref<2x32x128xf32, #tpu.memory_space<vmem>> -> memref<1x32x128xf32, #tpu.memory_space<vmem>>
      %dma_wait3A_199 = tpu.memref_squeeze %dma_wait3A_198 : memref<1x32x128xf32, #tpu.memory_space<vmem>> -> memref<32x128xf32, #tpu.memory_space<vmem>>
      %dma_wait3A_200 = arith.constant 0 : i32
      %dma_wait3A_201 = tpu.memref_slice %arg15[%add3A_22, %dma_wait3A_200] : memref<10240x128xf32, #tpu.memory_space<vmem_shared>> -> memref<32x128xf32, #tpu.memory_space<vmem_shared>>
      %dma_wait3A_202 = arith.constant 0 : i32
      %dma_wait3A_203 = tpu.memref_slice %arg15[%add3A_22, %dma_wait3A_202] : memref<10240x128xf32, #tpu.memory_space<vmem_shared>> -> memref<32x128xf32, #tpu.memory_space<vmem_shared>>
      %dma_wait3A_204 = arith.constant 0 : i32
      %dma_wait3A_205 = arith.constant 0 : i32
      %dma_wait3A_206 = tpu.memref_slice %arg14[%run_scoped3A_23, %dma_wait3A_204, %dma_wait3A_205] : memref<2x32x128xf32, #tpu.memory_space<vmem>> -> memref<1x32x128xf32, #tpu.memory_space<vmem>>
      %dma_wait3A_207 = tpu.memref_squeeze %dma_wait3A_206 : memref<1x32x128xf32, #tpu.memory_space<vmem>> -> memref<32x128xf32, #tpu.memory_space<vmem>>
      tpu.wait_dma2 semaphore(%run_scoped3A_183 : memref<!tpu.dma_semaphore, #tpu.memory_space<semaphore_mem>>) src(%dma_wait3A_207 : memref<32x128xf32, #tpu.memory_space<vmem>>) dst(%dma_wait3A_203 : memref<32x128xf32, #tpu.memory_space<vmem_shared>>)
      tpu.yield
    }) : () -> ()
    %mul3A_24 = arith.constant 640 : i32
    %mul3A_25 = arith.muli %arg1, %mul3A_24 : i32
    %add3A_26 = arith.constant 96 : i32
    %add3A_27 = arith.addi %mul3A_25, %add3A_26 : i32
    %run_scoped3A_28 = arith.constant 0 : i32
    "tpu.region"() ({
      %run_scoped3A_183 = tpu.sem_alloc : memref<!tpu.dma_semaphore, #tpu.memory_space<semaphore_mem>>
      %dma_start3A_184 = arith.constant 0 : i32
      %dma_start3A_185 = arith.constant 0 : i32
      %dma_start3A_186 = tpu.memref_slice %arg14[%run_scoped3A_28, %dma_start3A_184, %dma_start3A_185] : memref<2x32x128xf32, #tpu.memory_space<vmem>> -> memref<1x32x128xf32, #tpu.memory_space<vmem>>
      %dma_start3A_187 = tpu.memref_squeeze %dma_start3A_186 : memref<1x32x128xf32, #tpu.memory_space<vmem>> -> memref<32x128xf32, #tpu.memory_space<vmem>>
      %dma_start3A_188 = arith.constant 0 : i32
      %dma_start3A_189 = tpu.memref_slice %arg15[%add3A_27, %dma_start3A_188] : memref<10240x128xf32, #tpu.memory_space<vmem_shared>> -> memref<32x128xf32, #tpu.memory_space<vmem_shared>>
      %dma_start3A_190 = arith.constant 0 : i32
      %dma_start3A_191 = tpu.memref_slice %arg15[%add3A_27, %dma_start3A_190] : memref<10240x128xf32, #tpu.memory_space<vmem_shared>> -> memref<32x128xf32, #tpu.memory_space<vmem_shared>>
      %dma_start3A_192 = arith.constant 0 : i32
      %dma_start3A_193 = arith.constant 0 : i32
      %dma_start3A_194 = tpu.memref_slice %arg14[%run_scoped3A_28, %dma_start3A_192, %dma_start3A_193] : memref<2x32x128xf32, #tpu.memory_space<vmem>> -> memref<1x32x128xf32, #tpu.memory_space<vmem>>
      %dma_start3A_195 = tpu.memref_squeeze %dma_start3A_194 : memref<1x32x128xf32, #tpu.memory_space<vmem>> -> memref<32x128xf32, #tpu.memory_space<vmem>>
      tpu.enqueue_dma source(%dma_start3A_195 : memref<32x128xf32, #tpu.memory_space<vmem>>) target(%dma_start3A_191 : memref<32x128xf32, #tpu.memory_space<vmem_shared>>) target_semaphore(%run_scoped3A_183 : memref<!tpu.dma_semaphore, #tpu.memory_space<semaphore_mem>>)
      %dma_wait3A_196 = arith.constant 0 : i32
      %dma_wait3A_197 = arith.constant 0 : i32
      %dma_wait3A_198 = tpu.memref_slice %arg14[%run_scoped3A_28, %dma_wait3A_196, %dma_wait3A_197] : memref<2x32x128xf32, #tpu.memory_space<vmem>> -> memref<1x32x128xf32, #tpu.memory_space<vmem>>
      %dma_wait3A_199 = tpu.memref_squeeze %dma_wait3A_198 : memref<1x32x128xf32, #tpu.memory_space<vmem>> -> memref<32x128xf32, #tpu.memory_space<vmem>>
      %dma_wait3A_200 = arith.constant 0 : i32
      %dma_wait3A_201 = tpu.memref_slice %arg15[%add3A_27, %dma_wait3A_200] : memref<10240x128xf32, #tpu.memory_space<vmem_shared>> -> memref<32x128xf32, #tpu.memory_space<vmem_shared>>
      %dma_wait3A_202 = arith.constant 0 : i32
      %dma_wait3A_203 = tpu.memref_slice %arg15[%add3A_27, %dma_wait3A_202] : memref<10240x128xf32, #tpu.memory_space<vmem_shared>> -> memref<32x128xf32, #tpu.memory_space<vmem_shared>>
      %dma_wait3A_204 = arith.constant 0 : i32
      %dma_wait3A_205 = arith.constant 0 : i32
      %dma_wait3A_206 = tpu.memref_slice %arg14[%run_scoped3A_28, %dma_wait3A_204, %dma_wait3A_205] : memref<2x32x128xf32, #tpu.memory_space<vmem>> -> memref<1x32x128xf32, #tpu.memory_space<vmem>>
      %dma_wait3A_207 = tpu.memref_squeeze %dma_wait3A_206 : memref<1x32x128xf32, #tpu.memory_space<vmem>> -> memref<32x128xf32, #tpu.memory_space<vmem>>
      tpu.wait_dma2 semaphore(%run_scoped3A_183 : memref<!tpu.dma_semaphore, #tpu.memory_space<semaphore_mem>>) src(%dma_wait3A_207 : memref<32x128xf32, #tpu.memory_space<vmem>>) dst(%dma_wait3A_203 : memref<32x128xf32, #tpu.memory_space<vmem_shared>>)
      tpu.yield
    }) : () -> ()
    %mul3A_29 = arith.constant 640 : i32
    %mul3A_30 = arith.muli %arg1, %mul3A_29 : i32
    %add3A_31 = arith.constant 128 : i32
    %add3A_32 = arith.addi %mul3A_30, %add3A_31 : i32
    %run_scoped3A_33 = arith.constant 0 : i32
    "tpu.region"() ({
      %run_scoped3A_183 = tpu.sem_alloc : memref<!tpu.dma_semaphore, #tpu.memory_space<semaphore_mem>>
      %dma_start3A_184 = arith.constant 0 : i32
      %dma_start3A_185 = arith.constant 0 : i32
      %dma_start3A_186 = tpu.memref_slice %arg14[%run_scoped3A_33, %dma_start3A_184, %dma_start3A_185] : memref<2x32x128xf32, #tpu.memory_space<vmem>> -> memref<1x32x128xf32, #tpu.memory_space<vmem>>
      %dma_start3A_187 = tpu.memref_squeeze %dma_start3A_186 : memref<1x32x128xf32, #tpu.memory_space<vmem>> -> memref<32x128xf32, #tpu.memory_space<vmem>>
      %dma_start3A_188 = arith.constant 0 : i32
      %dma_start3A_189 = tpu.memref_slice %arg15[%add3A_32, %dma_start3A_188] : memref<10240x128xf32, #tpu.memory_space<vmem_shared>> -> memref<32x128xf32, #tpu.memory_space<vmem_shared>>
      %dma_start3A_190 = arith.constant 0 : i32
      %dma_start3A_191 = tpu.memref_slice %arg15[%add3A_32, %dma_start3A_190] : memref<10240x128xf32, #tpu.memory_space<vmem_shared>> -> memref<32x128xf32, #tpu.memory_space<vmem_shared>>
      %dma_start3A_192 = arith.constant 0 : i32
      %dma_start3A_193 = arith.constant 0 : i32
      %dma_start3A_194 = tpu.memref_slice %arg14[%run_scoped3A_33, %dma_start3A_192, %dma_start3A_193] : memref<2x32x128xf32, #tpu.memory_space<vmem>> -> memref<1x32x128xf32, #tpu.memory_space<vmem>>
      %dma_start3A_195 = tpu.memref_squeeze %dma_start3A_194 : memref<1x32x128xf32, #tpu.memory_space<vmem>> -> memref<32x128xf32, #tpu.memory_space<vmem>>
      tpu.enqueue_dma source(%dma_start3A_195 : memref<32x128xf32, #tpu.memory_space<vmem>>) target(%dma_start3A_191 : memref<32x128xf32, #tpu.memory_space<vmem_shared>>) target_semaphore(%run_scoped3A_183 : memref<!tpu.dma_semaphore, #tpu.memory_space<semaphore_mem>>)
      %dma_wait3A_196 = arith.constant 0 : i32
      %dma_wait3A_197 = arith.constant 0 : i32
      %dma_wait3A_198 = tpu.memref_slice %arg14[%run_scoped3A_33, %dma_wait3A_196, %dma_wait3A_197] : memref<2x32x128xf32, #tpu.memory_space<vmem>> -> memref<1x32x128xf32, #tpu.memory_space<vmem>>
      %dma_wait3A_199 = tpu.memref_squeeze %dma_wait3A_198 : memref<1x32x128xf32, #tpu.memory_space<vmem>> -> memref<32x128xf32, #tpu.memory_space<vmem>>
      %dma_wait3A_200 = arith.constant 0 : i32
      %dma_wait3A_201 = tpu.memref_slice %arg15[%add3A_32, %dma_wait3A_200] : memref<10240x128xf32, #tpu.memory_space<vmem_shared>> -> memref<32x128xf32, #tpu.memory_space<vmem_shared>>
      %dma_wait3A_202 = arith.constant 0 : i32
      %dma_wait3A_203 = tpu.memref_slice %arg15[%add3A_32, %dma_wait3A_202] : memref<10240x128xf32, #tpu.memory_space<vmem_shared>> -> memref<32x128xf32, #tpu.memory_space<vmem_shared>>
      %dma_wait3A_204 = arith.constant 0 : i32
      %dma_wait3A_205 = arith.constant 0 : i32
      %dma_wait3A_206 = tpu.memref_slice %arg14[%run_scoped3A_33, %dma_wait3A_204, %dma_wait3A_205] : memref<2x32x128xf32, #tpu.memory_space<vmem>> -> memref<1x32x128xf32, #tpu.memory_space<vmem>>
      %dma_wait3A_207 = tpu.memref_squeeze %dma_wait3A_206 : memref<1x32x128xf32, #tpu.memory_space<vmem>> -> memref<32x128xf32, #tpu.memory_space<vmem>>
      tpu.wait_dma2 semaphore(%run_scoped3A_183 : memref<!tpu.dma_semaphore, #tpu.memory_space<semaphore_mem>>) src(%dma_wait3A_207 : memref<32x128xf32, #tpu.memory_space<vmem>>) dst(%dma_wait3A_203 : memref<32x128xf32, #tpu.memory_space<vmem_shared>>)
      tpu.yield
    }) : () -> ()
    %mul3A_34 = arith.constant 640 : i32
    %mul3A_35 = arith.muli %arg1, %mul3A_34 : i32
    %add3A_36 = arith.constant 160 : i32
    %add3A_37 = arith.addi %mul3A_35, %add3A_36 : i32
    %run_scoped3A_38 = arith.constant 0 : i32
    "tpu.region"() ({
      %run_scoped3A_183 = tpu.sem_alloc : memref<!tpu.dma_semaphore, #tpu.memory_space<semaphore_mem>>
      %dma_start3A_184 = arith.constant 0 : i32
      %dma_start3A_185 = arith.constant 0 : i32
      %dma_start3A_186 = tpu.memref_slice %arg14[%run_scoped3A_38, %dma_start3A_184, %dma_start3A_185] : memref<2x32x128xf32, #tpu.memory_space<vmem>> -> memref<1x32x128xf32, #tpu.memory_space<vmem>>
      %dma_start3A_187 = tpu.memref_squeeze %dma_start3A_186 : memref<1x32x128xf32, #tpu.memory_space<vmem>> -> memref<32x128xf32, #tpu.memory_space<vmem>>
      %dma_start3A_188 = arith.constant 0 : i32
      %dma_start3A_189 = tpu.memref_slice %arg15[%add3A_37, %dma_start3A_188] : memref<10240x128xf32, #tpu.memory_space<vmem_shared>> -> memref<32x128xf32, #tpu.memory_space<vmem_shared>>
      %dma_start3A_190 = arith.constant 0 : i32
      %dma_start3A_191 = tpu.memref_slice %arg15[%add3A_37, %dma_start3A_190] : memref<10240x128xf32, #tpu.memory_space<vmem_shared>> -> memref<32x128xf32, #tpu.memory_space<vmem_shared>>
      %dma_start3A_192 = arith.constant 0 : i32
      %dma_start3A_193 = arith.constant 0 : i32
      %dma_start3A_194 = tpu.memref_slice %arg14[%run_scoped3A_38, %dma_start3A_192, %dma_start3A_193] : memref<2x32x128xf32, #tpu.memory_space<vmem>> -> memref<1x32x128xf32, #tpu.memory_space<vmem>>
      %dma_start3A_195 = tpu.memref_squeeze %dma_start3A_194 : memref<1x32x128xf32, #tpu.memory_space<vmem>> -> memref<32x128xf32, #tpu.memory_space<vmem>>
      tpu.enqueue_dma source(%dma_start3A_195 : memref<32x128xf32, #tpu.memory_space<vmem>>) target(%dma_start3A_191 : memref<32x128xf32, #tpu.memory_space<vmem_shared>>) target_semaphore(%run_scoped3A_183 : memref<!tpu.dma_semaphore, #tpu.memory_space<semaphore_mem>>)
      %dma_wait3A_196 = arith.constant 0 : i32
      %dma_wait3A_197 = arith.constant 0 : i32
      %dma_wait3A_198 = tpu.memref_slice %arg14[%run_scoped3A_38, %dma_wait3A_196, %dma_wait3A_197] : memref<2x32x128xf32, #tpu.memory_space<vmem>> -> memref<1x32x128xf32, #tpu.memory_space<vmem>>
      %dma_wait3A_199 = tpu.memref_squeeze %dma_wait3A_198 : memref<1x32x128xf32, #tpu.memory_space<vmem>> -> memref<32x128xf32, #tpu.memory_space<vmem>>
      %dma_wait3A_200 = arith.constant 0 : i32
      %dma_wait3A_201 = tpu.memref_slice %arg15[%add3A_37, %dma_wait3A_200] : memref<10240x128xf32, #tpu.memory_space<vmem_shared>> -> memref<32x128xf32, #tpu.memory_space<vmem_shared>>
      %dma_wait3A_202 = arith.constant 0 : i32
      %dma_wait3A_203 = tpu.memref_slice %arg15[%add3A_37, %dma_wait3A_202] : memref<10240x128xf32, #tpu.memory_space<vmem_shared>> -> memref<32x128xf32, #tpu.memory_space<vmem_shared>>
      %dma_wait3A_204 = arith.constant 0 : i32
      %dma_wait3A_205 = arith.constant 0 : i32
      %dma_wait3A_206 = tpu.memref_slice %arg14[%run_scoped3A_38, %dma_wait3A_204, %dma_wait3A_205] : memref<2x32x128xf32, #tpu.memory_space<vmem>> -> memref<1x32x128xf32, #tpu.memory_space<vmem>>
      %dma_wait3A_207 = tpu.memref_squeeze %dma_wait3A_206 : memref<1x32x128xf32, #tpu.memory_space<vmem>> -> memref<32x128xf32, #tpu.memory_space<vmem>>
      tpu.wait_dma2 semaphore(%run_scoped3A_183 : memref<!tpu.dma_semaphore, #tpu.memory_space<semaphore_mem>>) src(%dma_wait3A_207 : memref<32x128xf32, #tpu.memory_space<vmem>>) dst(%dma_wait3A_203 : memref<32x128xf32, #tpu.memory_space<vmem_shared>>)
      tpu.yield
    }) : () -> ()
    %mul3A_39 = arith.constant 640 : i32
    %mul3A_40 = arith.muli %arg1, %mul3A_39 : i32
    %add3A_41 = arith.constant 192 : i32
    %add3A_42 = arith.addi %mul3A_40, %add3A_41 : i32
    %run_scoped3A_43 = arith.constant 0 : i32
    "tpu.region"() ({
      %run_scoped3A_183 = tpu.sem_alloc : memref<!tpu.dma_semaphore, #tpu.memory_space<semaphore_mem>>
      %dma_start3A_184 = arith.constant 0 : i32
      %dma_start3A_185 = arith.constant 0 : i32
      %dma_start3A_186 = tpu.memref_slice %arg14[%run_scoped3A_43, %dma_start3A_184, %dma_start3A_185] : memref<2x32x128xf32, #tpu.memory_space<vmem>> -> memref<1x32x128xf32, #tpu.memory_space<vmem>>
      %dma_start3A_187 = tpu.memref_squeeze %dma_start3A_186 : memref<1x32x128xf32, #tpu.memory_space<vmem>> -> memref<32x128xf32, #tpu.memory_space<vmem>>
      %dma_start3A_188 = arith.constant 0 : i32
      %dma_start3A_189 = tpu.memref_slice %arg15[%add3A_42, %dma_start3A_188] : memref<10240x128xf32, #tpu.memory_space<vmem_shared>> -> memref<32x128xf32, #tpu.memory_space<vmem_shared>>
      %dma_start3A_190 = arith.constant 0 : i32
      %dma_start3A_191 = tpu.memref_slice %arg15[%add3A_42, %dma_start3A_190] : memref<10240x128xf32, #tpu.memory_space<vmem_shared>> -> memref<32x128xf32, #tpu.memory_space<vmem_shared>>
      %dma_start3A_192 = arith.constant 0 : i32
      %dma_start3A_193 = arith.constant 0 : i32
      %dma_start3A_194 = tpu.memref_slice %arg14[%run_scoped3A_43, %dma_start3A_192, %dma_start3A_193] : memref<2x32x128xf32, #tpu.memory_space<vmem>> -> memref<1x32x128xf32, #tpu.memory_space<vmem>>
      %dma_start3A_195 = tpu.memref_squeeze %dma_start3A_194 : memref<1x32x128xf32, #tpu.memory_space<vmem>> -> memref<32x128xf32, #tpu.memory_space<vmem>>
      tpu.enqueue_dma source(%dma_start3A_195 : memref<32x128xf32, #tpu.memory_space<vmem>>) target(%dma_start3A_191 : memref<32x128xf32, #tpu.memory_space<vmem_shared>>) target_semaphore(%run_scoped3A_183 : memref<!tpu.dma_semaphore, #tpu.memory_space<semaphore_mem>>)
      %dma_wait3A_196 = arith.constant 0 : i32
      %dma_wait3A_197 = arith.constant 0 : i32
      %dma_wait3A_198 = tpu.memref_slice %arg14[%run_scoped3A_43, %dma_wait3A_196, %dma_wait3A_197] : memref<2x32x128xf32, #tpu.memory_space<vmem>> -> memref<1x32x128xf32, #tpu.memory_space<vmem>>
      %dma_wait3A_199 = tpu.memref_squeeze %dma_wait3A_198 : memref<1x32x128xf32, #tpu.memory_space<vmem>> -> memref<32x128xf32, #tpu.memory_space<vmem>>
      %dma_wait3A_200 = arith.constant 0 : i32
      %dma_wait3A_201 = tpu.memref_slice %arg15[%add3A_42, %dma_wait3A_200] : memref<10240x128xf32, #tpu.memory_space<vmem_shared>> -> memref<32x128xf32, #tpu.memory_space<vmem_shared>>
      %dma_wait3A_202 = arith.constant 0 : i32
      %dma_wait3A_203 = tpu.memref_slice %arg15[%add3A_42, %dma_wait3A_202] : memref<10240x128xf32, #tpu.memory_space<vmem_shared>> -> memref<32x128xf32, #tpu.memory_space<vmem_shared>>
      %dma_wait3A_204 = arith.constant 0 : i32
      %dma_wait3A_205 = arith.constant 0 : i32
      %dma_wait3A_206 = tpu.memref_slice %arg14[%run_scoped3A_43, %dma_wait3A_204, %dma_wait3A_205] : memref<2x32x128xf32, #tpu.memory_space<vmem>> -> memref<1x32x128xf32, #tpu.memory_space<vmem>>
      %dma_wait3A_207 = tpu.memref_squeeze %dma_wait3A_206 : memref<1x32x128xf32, #tpu.memory_space<vmem>> -> memref<32x128xf32, #tpu.memory_space<vmem>>
      tpu.wait_dma2 semaphore(%run_scoped3A_183 : memref<!tpu.dma_semaphore, #tpu.memory_space<semaphore_mem>>) src(%dma_wait3A_207 : memref<32x128xf32, #tpu.memory_space<vmem>>) dst(%dma_wait3A_203 : memref<32x128xf32, #tpu.memory_space<vmem_shared>>)
      tpu.yield
    }) : () -> ()
    %mul3A_44 = arith.constant 640 : i32
    %mul3A_45 = arith.muli %arg1, %mul3A_44 : i32
    %add3A_46 = arith.constant 224 : i32
    %add3A_47 = arith.addi %mul3A_45, %add3A_46 : i32
    %run_scoped3A_48 = arith.constant 0 : i32
    "tpu.region"() ({
      %run_scoped3A_183 = tpu.sem_alloc : memref<!tpu.dma_semaphore, #tpu.memory_space<semaphore_mem>>
      %dma_start3A_184 = arith.constant 0 : i32
      %dma_start3A_185 = arith.constant 0 : i32
      %dma_start3A_186 = tpu.memref_slice %arg14[%run_scoped3A_48, %dma_start3A_184, %dma_start3A_185] : memref<2x32x128xf32, #tpu.memory_space<vmem>> -> memref<1x32x128xf32, #tpu.memory_space<vmem>>
      %dma_start3A_187 = tpu.memref_squeeze %dma_start3A_186 : memref<1x32x128xf32, #tpu.memory_space<vmem>> -> memref<32x128xf32, #tpu.memory_space<vmem>>
      %dma_start3A_188 = arith.constant 0 : i32
      %dma_start3A_189 = tpu.memref_slice %arg15[%add3A_47, %dma_start3A_188] : memref<10240x128xf32, #tpu.memory_space<vmem_shared>> -> memref<32x128xf32, #tpu.memory_space<vmem_shared>>
      %dma_start3A_190 = arith.constant 0 : i32
      %dma_start3A_191 = tpu.memref_slice %arg15[%add3A_47, %dma_start3A_190] : memref<10240x128xf32, #tpu.memory_space<vmem_shared>> -> memref<32x128xf32, #tpu.memory_space<vmem_shared>>
      %dma_start3A_192 = arith.constant 0 : i32
      %dma_start3A_193 = arith.constant 0 : i32
      %dma_start3A_194 = tpu.memref_slice %arg14[%run_scoped3A_48, %dma_start3A_192, %dma_start3A_193] : memref<2x32x128xf32, #tpu.memory_space<vmem>> -> memref<1x32x128xf32, #tpu.memory_space<vmem>>
      %dma_start3A_195 = tpu.memref_squeeze %dma_start3A_194 : memref<1x32x128xf32, #tpu.memory_space<vmem>> -> memref<32x128xf32, #tpu.memory_space<vmem>>
      tpu.enqueue_dma source(%dma_start3A_195 : memref<32x128xf32, #tpu.memory_space<vmem>>) target(%dma_start3A_191 : memref<32x128xf32, #tpu.memory_space<vmem_shared>>) target_semaphore(%run_scoped3A_183 : memref<!tpu.dma_semaphore, #tpu.memory_space<semaphore_mem>>)
      %dma_wait3A_196 = arith.constant 0 : i32
      %dma_wait3A_197 = arith.constant 0 : i32
      %dma_wait3A_198 = tpu.memref_slice %arg14[%run_scoped3A_48, %dma_wait3A_196, %dma_wait3A_197] : memref<2x32x128xf32, #tpu.memory_space<vmem>> -> memref<1x32x128xf32, #tpu.memory_space<vmem>>
      %dma_wait3A_199 = tpu.memref_squeeze %dma_wait3A_198 : memref<1x32x128xf32, #tpu.memory_space<vmem>> -> memref<32x128xf32, #tpu.memory_space<vmem>>
      %dma_wait3A_200 = arith.constant 0 : i32
      %dma_wait3A_201 = tpu.memref_slice %arg15[%add3A_47, %dma_wait3A_200] : memref<10240x128xf32, #tpu.memory_space<vmem_shared>> -> memref<32x128xf32, #tpu.memory_space<vmem_shared>>
      %dma_wait3A_202 = arith.constant 0 : i32
      %dma_wait3A_203 = tpu.memref_slice %arg15[%add3A_47, %dma_wait3A_202] : memref<10240x128xf32, #tpu.memory_space<vmem_shared>> -> memref<32x128xf32, #tpu.memory_space<vmem_shared>>
      %dma_wait3A_204 = arith.constant 0 : i32
      %dma_wait3A_205 = arith.constant 0 : i32
      %dma_wait3A_206 = tpu.memref_slice %arg14[%run_scoped3A_48, %dma_wait3A_204, %dma_wait3A_205] : memref<2x32x128xf32, #tpu.memory_space<vmem>> -> memref<1x32x128xf32, #tpu.memory_space<vmem>>
      %dma_wait3A_207 = tpu.memref_squeeze %dma_wait3A_206 : memref<1x32x128xf32, #tpu.memory_space<vmem>> -> memref<32x128xf32, #tpu.memory_space<vmem>>
      tpu.wait_dma2 semaphore(%run_scoped3A_183 : memref<!tpu.dma_semaphore, #tpu.memory_space<semaphore_mem>>) src(%dma_wait3A_207 : memref<32x128xf32, #tpu.memory_space<vmem>>) dst(%dma_wait3A_203 : memref<32x128xf32, #tpu.memory_space<vmem_shared>>)
      tpu.yield
    }) : () -> ()
    %mul3A_49 = arith.constant 640 : i32
    %mul3A_50 = arith.muli %arg1, %mul3A_49 : i32
    %add3A_51 = arith.constant 256 : i32
    %add3A_52 = arith.addi %mul3A_50, %add3A_51 : i32
    %run_scoped3A_53 = arith.constant 0 : i32
    "tpu.region"() ({
      %run_scoped3A_183 = tpu.sem_alloc : memref<!tpu.dma_semaphore, #tpu.memory_space<semaphore_mem>>
      %dma_start3A_184 = arith.constant 0 : i32
      %dma_start3A_185 = arith.constant 0 : i32
      %dma_start3A_186 = tpu.memref_slice %arg14[%run_scoped3A_53, %dma_start3A_184, %dma_start3A_185] : memref<2x32x128xf32, #tpu.memory_space<vmem>> -> memref<1x32x128xf32, #tpu.memory_space<vmem>>
      %dma_start3A_187 = tpu.memref_squeeze %dma_start3A_186 : memref<1x32x128xf32, #tpu.memory_space<vmem>> -> memref<32x128xf32, #tpu.memory_space<vmem>>
      %dma_start3A_188 = arith.constant 0 : i32
      %dma_start3A_189 = tpu.memref_slice %arg15[%add3A_52, %dma_start3A_188] : memref<10240x128xf32, #tpu.memory_space<vmem_shared>> -> memref<32x128xf32, #tpu.memory_space<vmem_shared>>
      %dma_start3A_190 = arith.constant 0 : i32
      %dma_start3A_191 = tpu.memref_slice %arg15[%add3A_52, %dma_start3A_190] : memref<10240x128xf32, #tpu.memory_space<vmem_shared>> -> memref<32x128xf32, #tpu.memory_space<vmem_shared>>
      %dma_start3A_192 = arith.constant 0 : i32
      %dma_start3A_193 = arith.constant 0 : i32
      %dma_start3A_194 = tpu.memref_slice %arg14[%run_scoped3A_53, %dma_start3A_192, %dma_start3A_193] : memref<2x32x128xf32, #tpu.memory_space<vmem>> -> memref<1x32x128xf32, #tpu.memory_space<vmem>>
      %dma_start3A_195 = tpu.memref_squeeze %dma_start3A_194 : memref<1x32x128xf32, #tpu.memory_space<vmem>> -> memref<32x128xf32, #tpu.memory_space<vmem>>
      tpu.enqueue_dma source(%dma_start3A_195 : memref<32x128xf32, #tpu.memory_space<vmem>>) target(%dma_start3A_191 : memref<32x128xf32, #tpu.memory_space<vmem_shared>>) target_semaphore(%run_scoped3A_183 : memref<!tpu.dma_semaphore, #tpu.memory_space<semaphore_mem>>)
      %dma_wait3A_196 = arith.constant 0 : i32
      %dma_wait3A_197 = arith.constant 0 : i32
      %dma_wait3A_198 = tpu.memref_slice %arg14[%run_scoped3A_53, %dma_wait3A_196, %dma_wait3A_197] : memref<2x32x128xf32, #tpu.memory_space<vmem>> -> memref<1x32x128xf32, #tpu.memory_space<vmem>>
      %dma_wait3A_199 = tpu.memref_squeeze %dma_wait3A_198 : memref<1x32x128xf32, #tpu.memory_space<vmem>> -> memref<32x128xf32, #tpu.memory_space<vmem>>
      %dma_wait3A_200 = arith.constant 0 : i32
      %dma_wait3A_201 = tpu.memref_slice %arg15[%add3A_52, %dma_wait3A_200] : memref<10240x128xf32, #tpu.memory_space<vmem_shared>> -> memref<32x128xf32, #tpu.memory_space<vmem_shared>>
      %dma_wait3A_202 = arith.constant 0 : i32
      %dma_wait3A_203 = tpu.memref_slice %arg15[%add3A_52, %dma_wait3A_202] : memref<10240x128xf32, #tpu.memory_space<vmem_shared>> -> memref<32x128xf32, #tpu.memory_space<vmem_shared>>
      %dma_wait3A_204 = arith.constant 0 : i32
      %dma_wait3A_205 = arith.constant 0 : i32
      %dma_wait3A_206 = tpu.memref_slice %arg14[%run_scoped3A_53, %dma_wait3A_204, %dma_wait3A_205] : memref<2x32x128xf32, #tpu.memory_space<vmem>> -> memref<1x32x128xf32, #tpu.memory_space<vmem>>
      %dma_wait3A_207 = tpu.memref_squeeze %dma_wait3A_206 : memref<1x32x128xf32, #tpu.memory_space<vmem>> -> memref<32x128xf32, #tpu.memory_space<vmem>>
      tpu.wait_dma2 semaphore(%run_scoped3A_183 : memref<!tpu.dma_semaphore, #tpu.memory_space<semaphore_mem>>) src(%dma_wait3A_207 : memref<32x128xf32, #tpu.memory_space<vmem>>) dst(%dma_wait3A_203 : memref<32x128xf32, #tpu.memory_space<vmem_shared>>)
      tpu.yield
    }) : () -> ()
    %mul3A_54 = arith.constant 640 : i32
    %mul3A_55 = arith.muli %arg1, %mul3A_54 : i32
    %add3A_56 = arith.constant 288 : i32
    %add3A_57 = arith.addi %mul3A_55, %add3A_56 : i32
    %run_scoped3A_58 = arith.constant 0 : i32
    "tpu.region"() ({
      %run_scoped3A_183 = tpu.sem_alloc : memref<!tpu.dma_semaphore, #tpu.memory_space<semaphore_mem>>
      %dma_start3A_184 = arith.constant 0 : i32
      %dma_start3A_185 = arith.constant 0 : i32
      %dma_start3A_186 = tpu.memref_slice %arg14[%run_scoped3A_58, %dma_start3A_184, %dma_start3A_185] : memref<2x32x128xf32, #tpu.memory_space<vmem>> -> memref<1x32x128xf32, #tpu.memory_space<vmem>>
      %dma_start3A_187 = tpu.memref_squeeze %dma_start3A_186 : memref<1x32x128xf32, #tpu.memory_space<vmem>> -> memref<32x128xf32, #tpu.memory_space<vmem>>
      %dma_start3A_188 = arith.constant 0 : i32
      %dma_start3A_189 = tpu.memref_slice %arg15[%add3A_57, %dma_start3A_188] : memref<10240x128xf32, #tpu.memory_space<vmem_shared>> -> memref<32x128xf32, #tpu.memory_space<vmem_shared>>
      %dma_start3A_190 = arith.constant 0 : i32
      %dma_start3A_191 = tpu.memref_slice %arg15[%add3A_57, %dma_start3A_190] : memref<10240x128xf32, #tpu.memory_space<vmem_shared>> -> memref<32x128xf32, #tpu.memory_space<vmem_shared>>
      %dma_start3A_192 = arith.constant 0 : i32
      %dma_start3A_193 = arith.constant 0 : i32
      %dma_start3A_194 = tpu.memref_slice %arg14[%run_scoped3A_58, %dma_start3A_192, %dma_start3A_193] : memref<2x32x128xf32, #tpu.memory_space<vmem>> -> memref<1x32x128xf32, #tpu.memory_space<vmem>>
      %dma_start3A_195 = tpu.memref_squeeze %dma_start3A_194 : memref<1x32x128xf32, #tpu.memory_space<vmem>> -> memref<32x128xf32, #tpu.memory_space<vmem>>
      tpu.enqueue_dma source(%dma_start3A_195 : memref<32x128xf32, #tpu.memory_space<vmem>>) target(%dma_start3A_191 : memref<32x128xf32, #tpu.memory_space<vmem_shared>>) target_semaphore(%run_scoped3A_183 : memref<!tpu.dma_semaphore, #tpu.memory_space<semaphore_mem>>)
      %dma_wait3A_196 = arith.constant 0 : i32
      %dma_wait3A_197 = arith.constant 0 : i32
      %dma_wait3A_198 = tpu.memref_slice %arg14[%run_scoped3A_58, %dma_wait3A_196, %dma_wait3A_197] : memref<2x32x128xf32, #tpu.memory_space<vmem>> -> memref<1x32x128xf32, #tpu.memory_space<vmem>>
      %dma_wait3A_199 = tpu.memref_squeeze %dma_wait3A_198 : memref<1x32x128xf32, #tpu.memory_space<vmem>> -> memref<32x128xf32, #tpu.memory_space<vmem>>
      %dma_wait3A_200 = arith.constant 0 : i32
      %dma_wait3A_201 = tpu.memref_slice %arg15[%add3A_57, %dma_wait3A_200] : memref<10240x128xf32, #tpu.memory_space<vmem_shared>> -> memref<32x128xf32, #tpu.memory_space<vmem_shared>>
      %dma_wait3A_202 = arith.constant 0 : i32
      %dma_wait3A_203 = tpu.memref_slice %arg15[%add3A_57, %dma_wait3A_202] : memref<10240x128xf32, #tpu.memory_space<vmem_shared>> -> memref<32x128xf32, #tpu.memory_space<vmem_shared>>
      %dma_wait3A_204 = arith.constant 0 : i32
      %dma_wait3A_205 = arith.constant 0 : i32
      %dma_wait3A_206 = tpu.memref_slice %arg14[%run_scoped3A_58, %dma_wait3A_204, %dma_wait3A_205] : memref<2x32x128xf32, #tpu.memory_space<vmem>> -> memref<1x32x128xf32, #tpu.memory_space<vmem>>
      %dma_wait3A_207 = tpu.memref_squeeze %dma_wait3A_206 : memref<1x32x128xf32, #tpu.memory_space<vmem>> -> memref<32x128xf32, #tpu.memory_space<vmem>>
      tpu.wait_dma2 semaphore(%run_scoped3A_183 : memref<!tpu.dma_semaphore, #tpu.memory_space<semaphore_mem>>) src(%dma_wait3A_207 : memref<32x128xf32, #tpu.memory_space<vmem>>) dst(%dma_wait3A_203 : memref<32x128xf32, #tpu.memory_space<vmem_shared>>)
      tpu.yield
    }) : () -> ()
    %mul3A_59 = arith.constant 640 : i32
    %mul3A_60 = arith.muli %arg1, %mul3A_59 : i32
    %add3A_61 = arith.constant 320 : i32
    %add3A_62 = arith.addi %mul3A_60, %add3A_61 : i32
    %run_scoped3A_63 = arith.constant 0 : i32
    "tpu.region"() ({
      %run_scoped3A_183 = tpu.sem_alloc : memref<!tpu.dma_semaphore, #tpu.memory_space<semaphore_mem>>
      %dma_start3A_184 = arith.constant 0 : i32
      %dma_start3A_185 = arith.constant 0 : i32
      %dma_start3A_186 = tpu.memref_slice %arg14[%run_scoped3A_63, %dma_start3A_184, %dma_start3A_185] : memref<2x32x128xf32, #tpu.memory_space<vmem>> -> memref<1x32x128xf32, #tpu.memory_space<vmem>>
      %dma_start3A_187 = tpu.memref_squeeze %dma_start3A_186 : memref<1x32x128xf32, #tpu.memory_space<vmem>> -> memref<32x128xf32, #tpu.memory_space<vmem>>
      %dma_start3A_188 = arith.constant 0 : i32
      %dma_start3A_189 = tpu.memref_slice %arg15[%add3A_62, %dma_start3A_188] : memref<10240x128xf32, #tpu.memory_space<vmem_shared>> -> memref<32x128xf32, #tpu.memory_space<vmem_shared>>
      %dma_start3A_190 = arith.constant 0 : i32
      %dma_start3A_191 = tpu.memref_slice %arg15[%add3A_62, %dma_start3A_190] : memref<10240x128xf32, #tpu.memory_space<vmem_shared>> -> memref<32x128xf32, #tpu.memory_space<vmem_shared>>
      %dma_start3A_192 = arith.constant 0 : i32
      %dma_start3A_193 = arith.constant 0 : i32
      %dma_start3A_194 = tpu.memref_slice %arg14[%run_scoped3A_63, %dma_start3A_192, %dma_start3A_193] : memref<2x32x128xf32, #tpu.memory_space<vmem>> -> memref<1x32x128xf32, #tpu.memory_space<vmem>>
      %dma_start3A_195 = tpu.memref_squeeze %dma_start3A_194 : memref<1x32x128xf32, #tpu.memory_space<vmem>> -> memref<32x128xf32, #tpu.memory_space<vmem>>
      tpu.enqueue_dma source(%dma_start3A_195 : memref<32x128xf32, #tpu.memory_space<vmem>>) target(%dma_start3A_191 : memref<32x128xf32, #tpu.memory_space<vmem_shared>>) target_semaphore(%run_scoped3A_183 : memref<!tpu.dma_semaphore, #tpu.memory_space<semaphore_mem>>)
      %dma_wait3A_196 = arith.constant 0 : i32
      %dma_wait3A_197 = arith.constant 0 : i32
      %dma_wait3A_198 = tpu.memref_slice %arg14[%run_scoped3A_63, %dma_wait3A_196, %dma_wait3A_197] : memref<2x32x128xf32, #tpu.memory_space<vmem>> -> memref<1x32x128xf32, #tpu.memory_space<vmem>>
      %dma_wait3A_199 = tpu.memref_squeeze %dma_wait3A_198 : memref<1x32x128xf32, #tpu.memory_space<vmem>> -> memref<32x128xf32, #tpu.memory_space<vmem>>
      %dma_wait3A_200 = arith.constant 0 : i32
      %dma_wait3A_201 = tpu.memref_slice %arg15[%add3A_62, %dma_wait3A_200] : memref<10240x128xf32, #tpu.memory_space<vmem_shared>> -> memref<32x128xf32, #tpu.memory_space<vmem_shared>>
      %dma_wait3A_202 = arith.constant 0 : i32
      %dma_wait3A_203 = tpu.memref_slice %arg15[%add3A_62, %dma_wait3A_202] : memref<10240x128xf32, #tpu.memory_space<vmem_shared>> -> memref<32x128xf32, #tpu.memory_space<vmem_shared>>
      %dma_wait3A_204 = arith.constant 0 : i32
      %dma_wait3A_205 = arith.constant 0 : i32
      %dma_wait3A_206 = tpu.memref_slice %arg14[%run_scoped3A_63, %dma_wait3A_204, %dma_wait3A_205] : memref<2x32x128xf32, #tpu.memory_space<vmem>> -> memref<1x32x128xf32, #tpu.memory_space<vmem>>
      %dma_wait3A_207 = tpu.memref_squeeze %dma_wait3A_206 : memref<1x32x128xf32, #tpu.memory_space<vmem>> -> memref<32x128xf32, #tpu.memory_space<vmem>>
      tpu.wait_dma2 semaphore(%run_scoped3A_183 : memref<!tpu.dma_semaphore, #tpu.memory_space<semaphore_mem>>) src(%dma_wait3A_207 : memref<32x128xf32, #tpu.memory_space<vmem>>) dst(%dma_wait3A_203 : memref<32x128xf32, #tpu.memory_space<vmem_shared>>)
      tpu.yield
    }) : () -> ()
    %mul3A_64 = arith.constant 640 : i32
    %mul3A_65 = arith.muli %arg1, %mul3A_64 : i32
    %add3A_66 = arith.constant 352 : i32
    %add3A_67 = arith.addi %mul3A_65, %add3A_66 : i32
    %run_scoped3A_68 = arith.constant 0 : i32
    "tpu.region"() ({
      %run_scoped3A_183 = tpu.sem_alloc : memref<!tpu.dma_semaphore, #tpu.memory_space<semaphore_mem>>
      %dma_start3A_184 = arith.constant 0 : i32
      %dma_start3A_185 = arith.constant 0 : i32
      %dma_start3A_186 = tpu.memref_slice %arg14[%run_scoped3A_68, %dma_start3A_184, %dma_start3A_185] : memref<2x32x128xf32, #tpu.memory_space<vmem>> -> memref<1x32x128xf32, #tpu.memory_space<vmem>>
      %dma_start3A_187 = tpu.memref_squeeze %dma_start3A_186 : memref<1x32x128xf32, #tpu.memory_space<vmem>> -> memref<32x128xf32, #tpu.memory_space<vmem>>
      %dma_start3A_188 = arith.constant 0 : i32
      %dma_start3A_189 = tpu.memref_slice %arg15[%add3A_67, %dma_start3A_188] : memref<10240x128xf32, #tpu.memory_space<vmem_shared>> -> memref<32x128xf32, #tpu.memory_space<vmem_shared>>
      %dma_start3A_190 = arith.constant 0 : i32
      %dma_start3A_191 = tpu.memref_slice %arg15[%add3A_67, %dma_start3A_190] : memref<10240x128xf32, #tpu.memory_space<vmem_shared>> -> memref<32x128xf32, #tpu.memory_space<vmem_shared>>
      %dma_start3A_192 = arith.constant 0 : i32
      %dma_start3A_193 = arith.constant 0 : i32
      %dma_start3A_194 = tpu.memref_slice %arg14[%run_scoped3A_68, %dma_start3A_192, %dma_start3A_193] : memref<2x32x128xf32, #tpu.memory_space<vmem>> -> memref<1x32x128xf32, #tpu.memory_space<vmem>>
      %dma_start3A_195 = tpu.memref_squeeze %dma_start3A_194 : memref<1x32x128xf32, #tpu.memory_space<vmem>> -> memref<32x128xf32, #tpu.memory_space<vmem>>
      tpu.enqueue_dma source(%dma_start3A_195 : memref<32x128xf32, #tpu.memory_space<vmem>>) target(%dma_start3A_191 : memref<32x128xf32, #tpu.memory_space<vmem_shared>>) target_semaphore(%run_scoped3A_183 : memref<!tpu.dma_semaphore, #tpu.memory_space<semaphore_mem>>)
      %dma_wait3A_196 = arith.constant 0 : i32
      %dma_wait3A_197 = arith.constant 0 : i32
      %dma_wait3A_198 = tpu.memref_slice %arg14[%run_scoped3A_68, %dma_wait3A_196, %dma_wait3A_197] : memref<2x32x128xf32, #tpu.memory_space<vmem>> -> memref<1x32x128xf32, #tpu.memory_space<vmem>>
      %dma_wait3A_199 = tpu.memref_squeeze %dma_wait3A_198 : memref<1x32x128xf32, #tpu.memory_space<vmem>> -> memref<32x128xf32, #tpu.memory_space<vmem>>
      %dma_wait3A_200 = arith.constant 0 : i32
      %dma_wait3A_201 = tpu.memref_slice %arg15[%add3A_67, %dma_wait3A_200] : memref<10240x128xf32, #tpu.memory_space<vmem_shared>> -> memref<32x128xf32, #tpu.memory_space<vmem_shared>>
      %dma_wait3A_202 = arith.constant 0 : i32
      %dma_wait3A_203 = tpu.memref_slice %arg15[%add3A_67, %dma_wait3A_202] : memref<10240x128xf32, #tpu.memory_space<vmem_shared>> -> memref<32x128xf32, #tpu.memory_space<vmem_shared>>
      %dma_wait3A_204 = arith.constant 0 : i32
      %dma_wait3A_205 = arith.constant 0 : i32
      %dma_wait3A_206 = tpu.memref_slice %arg14[%run_scoped3A_68, %dma_wait3A_204, %dma_wait3A_205] : memref<2x32x128xf32, #tpu.memory_space<vmem>> -> memref<1x32x128xf32, #tpu.memory_space<vmem>>
      %dma_wait3A_207 = tpu.memref_squeeze %dma_wait3A_206 : memref<1x32x128xf32, #tpu.memory_space<vmem>> -> memref<32x128xf32, #tpu.memory_space<vmem>>
      tpu.wait_dma2 semaphore(%run_scoped3A_183 : memref<!tpu.dma_semaphore, #tpu.memory_space<semaphore_mem>>) src(%dma_wait3A_207 : memref<32x128xf32, #tpu.memory_space<vmem>>) dst(%dma_wait3A_203 : memref<32x128xf32, #tpu.memory_space<vmem_shared>>)
      tpu.yield
    }) : () -> ()
    %mul3A_69 = arith.constant 640 : i32
    %mul3A_70 = arith.muli %arg1, %mul3A_69 : i32
    %add3A_71 = arith.constant 384 : i32
    %add3A_72 = arith.addi %mul3A_70, %add3A_71 : i32
    %run_scoped3A_73 = arith.constant 0 : i32
    "tpu.region"() ({
      %run_scoped3A_183 = tpu.sem_alloc : memref<!tpu.dma_semaphore, #tpu.memory_space<semaphore_mem>>
      %dma_start3A_184 = arith.constant 0 : i32
      %dma_start3A_185 = arith.constant 0 : i32
      %dma_start3A_186 = tpu.memref_slice %arg14[%run_scoped3A_73, %dma_start3A_184, %dma_start3A_185] : memref<2x32x128xf32, #tpu.memory_space<vmem>> -> memref<1x32x128xf32, #tpu.memory_space<vmem>>
      %dma_start3A_187 = tpu.memref_squeeze %dma_start3A_186 : memref<1x32x128xf32, #tpu.memory_space<vmem>> -> memref<32x128xf32, #tpu.memory_space<vmem>>
      %dma_start3A_188 = arith.constant 0 : i32
      %dma_start3A_189 = tpu.memref_slice %arg15[%add3A_72, %dma_start3A_188] : memref<10240x128xf32, #tpu.memory_space<vmem_shared>> -> memref<32x128xf32, #tpu.memory_space<vmem_shared>>
      %dma_start3A_190 = arith.constant 0 : i32
      %dma_start3A_191 = tpu.memref_slice %arg15[%add3A_72, %dma_start3A_190] : memref<10240x128xf32, #tpu.memory_space<vmem_shared>> -> memref<32x128xf32, #tpu.memory_space<vmem_shared>>
      %dma_start3A_192 = arith.constant 0 : i32
      %dma_start3A_193 = arith.constant 0 : i32
      %dma_start3A_194 = tpu.memref_slice %arg14[%run_scoped3A_73, %dma_start3A_192, %dma_start3A_193] : memref<2x32x128xf32, #tpu.memory_space<vmem>> -> memref<1x32x128xf32, #tpu.memory_space<vmem>>
      %dma_start3A_195 = tpu.memref_squeeze %dma_start3A_194 : memref<1x32x128xf32, #tpu.memory_space<vmem>> -> memref<32x128xf32, #tpu.memory_space<vmem>>
      tpu.enqueue_dma source(%dma_start3A_195 : memref<32x128xf32, #tpu.memory_space<vmem>>) target(%dma_start3A_191 : memref<32x128xf32, #tpu.memory_space<vmem_shared>>) target_semaphore(%run_scoped3A_183 : memref<!tpu.dma_semaphore, #tpu.memory_space<semaphore_mem>>)
      %dma_wait3A_196 = arith.constant 0 : i32
      %dma_wait3A_197 = arith.constant 0 : i32
      %dma_wait3A_198 = tpu.memref_slice %arg14[%run_scoped3A_73, %dma_wait3A_196, %dma_wait3A_197] : memref<2x32x128xf32, #tpu.memory_space<vmem>> -> memref<1x32x128xf32, #tpu.memory_space<vmem>>
      %dma_wait3A_199 = tpu.memref_squeeze %dma_wait3A_198 : memref<1x32x128xf32, #tpu.memory_space<vmem>> -> memref<32x128xf32, #tpu.memory_space<vmem>>
      %dma_wait3A_200 = arith.constant 0 : i32
      %dma_wait3A_201 = tpu.memref_slice %arg15[%add3A_72, %dma_wait3A_200] : memref<10240x128xf32, #tpu.memory_space<vmem_shared>> -> memref<32x128xf32, #tpu.memory_space<vmem_shared>>
      %dma_wait3A_202 = arith.constant 0 : i32
      %dma_wait3A_203 = tpu.memref_slice %arg15[%add3A_72, %dma_wait3A_202] : memref<10240x128xf32, #tpu.memory_space<vmem_shared>> -> memref<32x128xf32, #tpu.memory_space<vmem_shared>>
      %dma_wait3A_204 = arith.constant 0 : i32
      %dma_wait3A_205 = arith.constant 0 : i32
      %dma_wait3A_206 = tpu.memref_slice %arg14[%run_scoped3A_73, %dma_wait3A_204, %dma_wait3A_205] : memref<2x32x128xf32, #tpu.memory_space<vmem>> -> memref<1x32x128xf32, #tpu.memory_space<vmem>>
      %dma_wait3A_207 = tpu.memref_squeeze %dma_wait3A_206 : memref<1x32x128xf32, #tpu.memory_space<vmem>> -> memref<32x128xf32, #tpu.memory_space<vmem>>
      tpu.wait_dma2 semaphore(%run_scoped3A_183 : memref<!tpu.dma_semaphore, #tpu.memory_space<semaphore_mem>>) src(%dma_wait3A_207 : memref<32x128xf32, #tpu.memory_space<vmem>>) dst(%dma_wait3A_203 : memref<32x128xf32, #tpu.memory_space<vmem_shared>>)
      tpu.yield
    }) : () -> ()
    %mul3A_74 = arith.constant 640 : i32
    %mul3A_75 = arith.muli %arg1, %mul3A_74 : i32
    %add3A_76 = arith.constant 416 : i32
    %add3A_77 = arith.addi %mul3A_75, %add3A_76 : i32
    %run_scoped3A_78 = arith.constant 0 : i32
    "tpu.region"() ({
      %run_scoped3A_183 = tpu.sem_alloc : memref<!tpu.dma_semaphore, #tpu.memory_space<semaphore_mem>>
      %dma_start3A_184 = arith.constant 0 : i32
      %dma_start3A_185 = arith.constant 0 : i32
      %dma_start3A_186 = tpu.memref_slice %arg14[%run_scoped3A_78, %dma_start3A_184, %dma_start3A_185] : memref<2x32x128xf32, #tpu.memory_space<vmem>> -> memref<1x32x128xf32, #tpu.memory_space<vmem>>
      %dma_start3A_187 = tpu.memref_squeeze %dma_start3A_186 : memref<1x32x128xf32, #tpu.memory_space<vmem>> -> memref<32x128xf32, #tpu.memory_space<vmem>>
      %dma_start3A_188 = arith.constant 0 : i32
      %dma_start3A_189 = tpu.memref_slice %arg15[%add3A_77, %dma_start3A_188] : memref<10240x128xf32, #tpu.memory_space<vmem_shared>> -> memref<32x128xf32, #tpu.memory_space<vmem_shared>>
      %dma_start3A_190 = arith.constant 0 : i32
      %dma_start3A_191 = tpu.memref_slice %arg15[%add3A_77, %dma_start3A_190] : memref<10240x128xf32, #tpu.memory_space<vmem_shared>> -> memref<32x128xf32, #tpu.memory_space<vmem_shared>>
      %dma_start3A_192 = arith.constant 0 : i32
      %dma_start3A_193 = arith.constant 0 : i32
      %dma_start3A_194 = tpu.memref_slice %arg14[%run_scoped3A_78, %dma_start3A_192, %dma_start3A_193] : memref<2x32x128xf32, #tpu.memory_space<vmem>> -> memref<1x32x128xf32, #tpu.memory_space<vmem>>
      %dma_start3A_195 = tpu.memref_squeeze %dma_start3A_194 : memref<1x32x128xf32, #tpu.memory_space<vmem>> -> memref<32x128xf32, #tpu.memory_space<vmem>>
      tpu.enqueue_dma source(%dma_start3A_195 : memref<32x128xf32, #tpu.memory_space<vmem>>) target(%dma_start3A_191 : memref<32x128xf32, #tpu.memory_space<vmem_shared>>) target_semaphore(%run_scoped3A_183 : memref<!tpu.dma_semaphore, #tpu.memory_space<semaphore_mem>>)
      %dma_wait3A_196 = arith.constant 0 : i32
      %dma_wait3A_197 = arith.constant 0 : i32
      %dma_wait3A_198 = tpu.memref_slice %arg14[%run_scoped3A_78, %dma_wait3A_196, %dma_wait3A_197] : memref<2x32x128xf32, #tpu.memory_space<vmem>> -> memref<1x32x128xf32, #tpu.memory_space<vmem>>
      %dma_wait3A_199 = tpu.memref_squeeze %dma_wait3A_198 : memref<1x32x128xf32, #tpu.memory_space<vmem>> -> memref<32x128xf32, #tpu.memory_space<vmem>>
      %dma_wait3A_200 = arith.constant 0 : i32
      %dma_wait3A_201 = tpu.memref_slice %arg15[%add3A_77, %dma_wait3A_200] : memref<10240x128xf32, #tpu.memory_space<vmem_shared>> -> memref<32x128xf32, #tpu.memory_space<vmem_shared>>
      %dma_wait3A_202 = arith.constant 0 : i32
      %dma_wait3A_203 = tpu.memref_slice %arg15[%add3A_77, %dma_wait3A_202] : memref<10240x128xf32, #tpu.memory_space<vmem_shared>> -> memref<32x128xf32, #tpu.memory_space<vmem_shared>>
      %dma_wait3A_204 = arith.constant 0 : i32
      %dma_wait3A_205 = arith.constant 0 : i32
      %dma_wait3A_206 = tpu.memref_slice %arg14[%run_scoped3A_78, %dma_wait3A_204, %dma_wait3A_205] : memref<2x32x128xf32, #tpu.memory_space<vmem>> -> memref<1x32x128xf32, #tpu.memory_space<vmem>>
      %dma_wait3A_207 = tpu.memref_squeeze %dma_wait3A_206 : memref<1x32x128xf32, #tpu.memory_space<vmem>> -> memref<32x128xf32, #tpu.memory_space<vmem>>
      tpu.wait_dma2 semaphore(%run_scoped3A_183 : memref<!tpu.dma_semaphore, #tpu.memory_space<semaphore_mem>>) src(%dma_wait3A_207 : memref<32x128xf32, #tpu.memory_space<vmem>>) dst(%dma_wait3A_203 : memref<32x128xf32, #tpu.memory_space<vmem_shared>>)
      tpu.yield
    }) : () -> ()
    %mul3A_79 = arith.constant 640 : i32
    %mul3A_80 = arith.muli %arg1, %mul3A_79 : i32
    %add3A_81 = arith.constant 448 : i32
    %add3A_82 = arith.addi %mul3A_80, %add3A_81 : i32
    %run_scoped3A_83 = arith.constant 0 : i32
    "tpu.region"() ({
      %run_scoped3A_183 = tpu.sem_alloc : memref<!tpu.dma_semaphore, #tpu.memory_space<semaphore_mem>>
      %dma_start3A_184 = arith.constant 0 : i32
      %dma_start3A_185 = arith.constant 0 : i32
      %dma_start3A_186 = tpu.memref_slice %arg14[%run_scoped3A_83, %dma_start3A_184, %dma_start3A_185] : memref<2x32x128xf32, #tpu.memory_space<vmem>> -> memref<1x32x128xf32, #tpu.memory_space<vmem>>
      %dma_start3A_187 = tpu.memref_squeeze %dma_start3A_186 : memref<1x32x128xf32, #tpu.memory_space<vmem>> -> memref<32x128xf32, #tpu.memory_space<vmem>>
      %dma_start3A_188 = arith.constant 0 : i32
      %dma_start3A_189 = tpu.memref_slice %arg15[%add3A_82, %dma_start3A_188] : memref<10240x128xf32, #tpu.memory_space<vmem_shared>> -> memref<32x128xf32, #tpu.memory_space<vmem_shared>>
      %dma_start3A_190 = arith.constant 0 : i32
      %dma_start3A_191 = tpu.memref_slice %arg15[%add3A_82, %dma_start3A_190] : memref<10240x128xf32, #tpu.memory_space<vmem_shared>> -> memref<32x128xf32, #tpu.memory_space<vmem_shared>>
      %dma_start3A_192 = arith.constant 0 : i32
      %dma_start3A_193 = arith.constant 0 : i32
      %dma_start3A_194 = tpu.memref_slice %arg14[%run_scoped3A_83, %dma_start3A_192, %dma_start3A_193] : memref<2x32x128xf32, #tpu.memory_space<vmem>> -> memref<1x32x128xf32, #tpu.memory_space<vmem>>
      %dma_start3A_195 = tpu.memref_squeeze %dma_start3A_194 : memref<1x32x128xf32, #tpu.memory_space<vmem>> -> memref<32x128xf32, #tpu.memory_space<vmem>>
      tpu.enqueue_dma source(%dma_start3A_195 : memref<32x128xf32, #tpu.memory_space<vmem>>) target(%dma_start3A_191 : memref<32x128xf32, #tpu.memory_space<vmem_shared>>) target_semaphore(%run_scoped3A_183 : memref<!tpu.dma_semaphore, #tpu.memory_space<semaphore_mem>>)
      %dma_wait3A_196 = arith.constant 0 : i32
      %dma_wait3A_197 = arith.constant 0 : i32
      %dma_wait3A_198 = tpu.memref_slice %arg14[%run_scoped3A_83, %dma_wait3A_196, %dma_wait3A_197] : memref<2x32x128xf32, #tpu.memory_space<vmem>> -> memref<1x32x128xf32, #tpu.memory_space<vmem>>
      %dma_wait3A_199 = tpu.memref_squeeze %dma_wait3A_198 : memref<1x32x128xf32, #tpu.memory_space<vmem>> -> memref<32x128xf32, #tpu.memory_space<vmem>>
      %dma_wait3A_200 = arith.constant 0 : i32
      %dma_wait3A_201 = tpu.memref_slice %arg15[%add3A_82, %dma_wait3A_200] : memref<10240x128xf32, #tpu.memory_space<vmem_shared>> -> memref<32x128xf32, #tpu.memory_space<vmem_shared>>
      %dma_wait3A_202 = arith.constant 0 : i32
      %dma_wait3A_203 = tpu.memref_slice %arg15[%add3A_82, %dma_wait3A_202] : memref<10240x128xf32, #tpu.memory_space<vmem_shared>> -> memref<32x128xf32, #tpu.memory_space<vmem_shared>>
      %dma_wait3A_204 = arith.constant 0 : i32
      %dma_wait3A_205 = arith.constant 0 : i32
      %dma_wait3A_206 = tpu.memref_slice %arg14[%run_scoped3A_83, %dma_wait3A_204, %dma_wait3A_205] : memref<2x32x128xf32, #tpu.memory_space<vmem>> -> memref<1x32x128xf32, #tpu.memory_space<vmem>>
      %dma_wait3A_207 = tpu.memref_squeeze %dma_wait3A_206 : memref<1x32x128xf32, #tpu.memory_space<vmem>> -> memref<32x128xf32, #tpu.memory_space<vmem>>
      tpu.wait_dma2 semaphore(%run_scoped3A_183 : memref<!tpu.dma_semaphore, #tpu.memory_space<semaphore_mem>>) src(%dma_wait3A_207 : memref<32x128xf32, #tpu.memory_space<vmem>>) dst(%dma_wait3A_203 : memref<32x128xf32, #tpu.memory_space<vmem_shared>>)
      tpu.yield
    }) : () -> ()
    %mul3A_84 = arith.constant 640 : i32
    %mul3A_85 = arith.muli %arg1, %mul3A_84 : i32
    %add3A_86 = arith.constant 480 : i32
    %add3A_87 = arith.addi %mul3A_85, %add3A_86 : i32
    %run_scoped3A_88 = arith.constant 0 : i32
    "tpu.region"() ({
      %run_scoped3A_183 = tpu.sem_alloc : memref<!tpu.dma_semaphore, #tpu.memory_space<semaphore_mem>>
      %dma_start3A_184 = arith.constant 0 : i32
      %dma_start3A_185 = arith.constant 0 : i32
      %dma_start3A_186 = tpu.memref_slice %arg14[%run_scoped3A_88, %dma_start3A_184, %dma_start3A_185] : memref<2x32x128xf32, #tpu.memory_space<vmem>> -> memref<1x32x128xf32, #tpu.memory_space<vmem>>
      %dma_start3A_187 = tpu.memref_squeeze %dma_start3A_186 : memref<1x32x128xf32, #tpu.memory_space<vmem>> -> memref<32x128xf32, #tpu.memory_space<vmem>>
      %dma_start3A_188 = arith.constant 0 : i32
      %dma_start3A_189 = tpu.memref_slice %arg15[%add3A_87, %dma_start3A_188] : memref<10240x128xf32, #tpu.memory_space<vmem_shared>> -> memref<32x128xf32, #tpu.memory_space<vmem_shared>>
      %dma_start3A_190 = arith.constant 0 : i32
      %dma_start3A_191 = tpu.memref_slice %arg15[%add3A_87, %dma_start3A_190] : memref<10240x128xf32, #tpu.memory_space<vmem_shared>> -> memref<32x128xf32, #tpu.memory_space<vmem_shared>>
      %dma_start3A_192 = arith.constant 0 : i32
      %dma_start3A_193 = arith.constant 0 : i32
      %dma_start3A_194 = tpu.memref_slice %arg14[%run_scoped3A_88, %dma_start3A_192, %dma_start3A_193] : memref<2x32x128xf32, #tpu.memory_space<vmem>> -> memref<1x32x128xf32, #tpu.memory_space<vmem>>
      %dma_start3A_195 = tpu.memref_squeeze %dma_start3A_194 : memref<1x32x128xf32, #tpu.memory_space<vmem>> -> memref<32x128xf32, #tpu.memory_space<vmem>>
      tpu.enqueue_dma source(%dma_start3A_195 : memref<32x128xf32, #tpu.memory_space<vmem>>) target(%dma_start3A_191 : memref<32x128xf32, #tpu.memory_space<vmem_shared>>) target_semaphore(%run_scoped3A_183 : memref<!tpu.dma_semaphore, #tpu.memory_space<semaphore_mem>>)
      %dma_wait3A_196 = arith.constant 0 : i32
      %dma_wait3A_197 = arith.constant 0 : i32
      %dma_wait3A_198 = tpu.memref_slice %arg14[%run_scoped3A_88, %dma_wait3A_196, %dma_wait3A_197] : memref<2x32x128xf32, #tpu.memory_space<vmem>> -> memref<1x32x128xf32, #tpu.memory_space<vmem>>
      %dma_wait3A_199 = tpu.memref_squeeze %dma_wait3A_198 : memref<1x32x128xf32, #tpu.memory_space<vmem>> -> memref<32x128xf32, #tpu.memory_space<vmem>>
      %dma_wait3A_200 = arith.constant 0 : i32
      %dma_wait3A_201 = tpu.memref_slice %arg15[%add3A_87, %dma_wait3A_200] : memref<10240x128xf32, #tpu.memory_space<vmem_shared>> -> memref<32x128xf32, #tpu.memory_space<vmem_shared>>
      %dma_wait3A_202 = arith.constant 0 : i32
      %dma_wait3A_203 = tpu.memref_slice %arg15[%add3A_87, %dma_wait3A_202] : memref<10240x128xf32, #tpu.memory_space<vmem_shared>> -> memref<32x128xf32, #tpu.memory_space<vmem_shared>>
      %dma_wait3A_204 = arith.constant 0 : i32
      %dma_wait3A_205 = arith.constant 0 : i32
      %dma_wait3A_206 = tpu.memref_slice %arg14[%run_scoped3A_88, %dma_wait3A_204, %dma_wait3A_205] : memref<2x32x128xf32, #tpu.memory_space<vmem>> -> memref<1x32x128xf32, #tpu.memory_space<vmem>>
      %dma_wait3A_207 = tpu.memref_squeeze %dma_wait3A_206 : memref<1x32x128xf32, #tpu.memory_space<vmem>> -> memref<32x128xf32, #tpu.memory_space<vmem>>
      tpu.wait_dma2 semaphore(%run_scoped3A_183 : memref<!tpu.dma_semaphore, #tpu.memory_space<semaphore_mem>>) src(%dma_wait3A_207 : memref<32x128xf32, #tpu.memory_space<vmem>>) dst(%dma_wait3A_203 : memref<32x128xf32, #tpu.memory_space<vmem_shared>>)
      tpu.yield
    }) : () -> ()
    %mul3A_89 = arith.constant 640 : i32
    %mul3A_90 = arith.muli %arg1, %mul3A_89 : i32
    %add3A_91 = arith.constant 512 : i32
    %add3A_92 = arith.addi %mul3A_90, %add3A_91 : i32
    %run_scoped3A_93 = arith.constant 0 : i32
    "tpu.region"() ({
      %run_scoped3A_183 = tpu.sem_alloc : memref<!tpu.dma_semaphore, #tpu.memory_space<semaphore_mem>>
      %dma_start3A_184 = arith.constant 0 : i32
      %dma_start3A_185 = arith.constant 0 : i32
      %dma_start3A_186 = tpu.memref_slice %arg14[%run_scoped3A_93, %dma_start3A_184, %dma_start3A_185] : memref<2x32x128xf32, #tpu.memory_space<vmem>> -> memref<1x32x128xf32, #tpu.memory_space<vmem>>
      %dma_start3A_187 = tpu.memref_squeeze %dma_start3A_186 : memref<1x32x128xf32, #tpu.memory_space<vmem>> -> memref<32x128xf32, #tpu.memory_space<vmem>>
      %dma_start3A_188 = arith.constant 0 : i32
      %dma_start3A_189 = tpu.memref_slice %arg15[%add3A_92, %dma_start3A_188] : memref<10240x128xf32, #tpu.memory_space<vmem_shared>> -> memref<32x128xf32, #tpu.memory_space<vmem_shared>>
      %dma_start3A_190 = arith.constant 0 : i32
      %dma_start3A_191 = tpu.memref_slice %arg15[%add3A_92, %dma_start3A_190] : memref<10240x128xf32, #tpu.memory_space<vmem_shared>> -> memref<32x128xf32, #tpu.memory_space<vmem_shared>>
      %dma_start3A_192 = arith.constant 0 : i32
      %dma_start3A_193 = arith.constant 0 : i32
      %dma_start3A_194 = tpu.memref_slice %arg14[%run_scoped3A_93, %dma_start3A_192, %dma_start3A_193] : memref<2x32x128xf32, #tpu.memory_space<vmem>> -> memref<1x32x128xf32, #tpu.memory_space<vmem>>
      %dma_start3A_195 = tpu.memref_squeeze %dma_start3A_194 : memref<1x32x128xf32, #tpu.memory_space<vmem>> -> memref<32x128xf32, #tpu.memory_space<vmem>>
      tpu.enqueue_dma source(%dma_start3A_195 : memref<32x128xf32, #tpu.memory_space<vmem>>) target(%dma_start3A_191 : memref<32x128xf32, #tpu.memory_space<vmem_shared>>) target_semaphore(%run_scoped3A_183 : memref<!tpu.dma_semaphore, #tpu.memory_space<semaphore_mem>>)
      %dma_wait3A_196 = arith.constant 0 : i32
      %dma_wait3A_197 = arith.constant 0 : i32
      %dma_wait3A_198 = tpu.memref_slice %arg14[%run_scoped3A_93, %dma_wait3A_196, %dma_wait3A_197] : memref<2x32x128xf32, #tpu.memory_space<vmem>> -> memref<1x32x128xf32, #tpu.memory_space<vmem>>
      %dma_wait3A_199 = tpu.memref_squeeze %dma_wait3A_198 : memref<1x32x128xf32, #tpu.memory_space<vmem>> -> memref<32x128xf32, #tpu.memory_space<vmem>>
      %dma_wait3A_200 = arith.constant 0 : i32
      %dma_wait3A_201 = tpu.memref_slice %arg15[%add3A_92, %dma_wait3A_200] : memref<10240x128xf32, #tpu.memory_space<vmem_shared>> -> memref<32x128xf32, #tpu.memory_space<vmem_shared>>
      %dma_wait3A_202 = arith.constant 0 : i32
      %dma_wait3A_203 = tpu.memref_slice %arg15[%add3A_92, %dma_wait3A_202] : memref<10240x128xf32, #tpu.memory_space<vmem_shared>> -> memref<32x128xf32, #tpu.memory_space<vmem_shared>>
      %dma_wait3A_204 = arith.constant 0 : i32
      %dma_wait3A_205 = arith.constant 0 : i32
      %dma_wait3A_206 = tpu.memref_slice %arg14[%run_scoped3A_93, %dma_wait3A_204, %dma_wait3A_205] : memref<2x32x128xf32, #tpu.memory_space<vmem>> -> memref<1x32x128xf32, #tpu.memory_space<vmem>>
      %dma_wait3A_207 = tpu.memref_squeeze %dma_wait3A_206 : memref<1x32x128xf32, #tpu.memory_space<vmem>> -> memref<32x128xf32, #tpu.memory_space<vmem>>
      tpu.wait_dma2 semaphore(%run_scoped3A_183 : memref<!tpu.dma_semaphore, #tpu.memory_space<semaphore_mem>>) src(%dma_wait3A_207 : memref<32x128xf32, #tpu.memory_space<vmem>>) dst(%dma_wait3A_203 : memref<32x128xf32, #tpu.memory_space<vmem_shared>>)
      tpu.yield
    }) : () -> ()
    %mul3A_94 = arith.constant 640 : i32
    %mul3A_95 = arith.muli %arg1, %mul3A_94 : i32
    %add3A_96 = arith.constant 544 : i32
    %add3A_97 = arith.addi %mul3A_95, %add3A_96 : i32
    %run_scoped3A_98 = arith.constant 0 : i32
    "tpu.region"() ({
      %run_scoped3A_183 = tpu.sem_alloc : memref<!tpu.dma_semaphore, #tpu.memory_space<semaphore_mem>>
      %dma_start3A_184 = arith.constant 0 : i32
      %dma_start3A_185 = arith.constant 0 : i32
      %dma_start3A_186 = tpu.memref_slice %arg14[%run_scoped3A_98, %dma_start3A_184, %dma_start3A_185] : memref<2x32x128xf32, #tpu.memory_space<vmem>> -> memref<1x32x128xf32, #tpu.memory_space<vmem>>
      %dma_start3A_187 = tpu.memref_squeeze %dma_start3A_186 : memref<1x32x128xf32, #tpu.memory_space<vmem>> -> memref<32x128xf32, #tpu.memory_space<vmem>>
      %dma_start3A_188 = arith.constant 0 : i32
      %dma_start3A_189 = tpu.memref_slice %arg15[%add3A_97, %dma_start3A_188] : memref<10240x128xf32, #tpu.memory_space<vmem_shared>> -> memref<32x128xf32, #tpu.memory_space<vmem_shared>>
      %dma_start3A_190 = arith.constant 0 : i32
      %dma_start3A_191 = tpu.memref_slice %arg15[%add3A_97, %dma_start3A_190] : memref<10240x128xf32, #tpu.memory_space<vmem_shared>> -> memref<32x128xf32, #tpu.memory_space<vmem_shared>>
      %dma_start3A_192 = arith.constant 0 : i32
      %dma_start3A_193 = arith.constant 0 : i32
      %dma_start3A_194 = tpu.memref_slice %arg14[%run_scoped3A_98, %dma_start3A_192, %dma_start3A_193] : memref<2x32x128xf32, #tpu.memory_space<vmem>> -> memref<1x32x128xf32, #tpu.memory_space<vmem>>
      %dma_start3A_195 = tpu.memref_squeeze %dma_start3A_194 : memref<1x32x128xf32, #tpu.memory_space<vmem>> -> memref<32x128xf32, #tpu.memory_space<vmem>>
      tpu.enqueue_dma source(%dma_start3A_195 : memref<32x128xf32, #tpu.memory_space<vmem>>) target(%dma_start3A_191 : memref<32x128xf32, #tpu.memory_space<vmem_shared>>) target_semaphore(%run_scoped3A_183 : memref<!tpu.dma_semaphore, #tpu.memory_space<semaphore_mem>>)
      %dma_wait3A_196 = arith.constant 0 : i32
      %dma_wait3A_197 = arith.constant 0 : i32
      %dma_wait3A_198 = tpu.memref_slice %arg14[%run_scoped3A_98, %dma_wait3A_196, %dma_wait3A_197] : memref<2x32x128xf32, #tpu.memory_space<vmem>> -> memref<1x32x128xf32, #tpu.memory_space<vmem>>
      %dma_wait3A_199 = tpu.memref_squeeze %dma_wait3A_198 : memref<1x32x128xf32, #tpu.memory_space<vmem>> -> memref<32x128xf32, #tpu.memory_space<vmem>>
      %dma_wait3A_200 = arith.constant 0 : i32
      %dma_wait3A_201 = tpu.memref_slice %arg15[%add3A_97, %dma_wait3A_200] : memref<10240x128xf32, #tpu.memory_space<vmem_shared>> -> memref<32x128xf32, #tpu.memory_space<vmem_shared>>
      %dma_wait3A_202 = arith.constant 0 : i32
      %dma_wait3A_203 = tpu.memref_slice %arg15[%add3A_97, %dma_wait3A_202] : memref<10240x128xf32, #tpu.memory_space<vmem_shared>> -> memref<32x128xf32, #tpu.memory_space<vmem_shared>>
      %dma_wait3A_204 = arith.constant 0 : i32
      %dma_wait3A_205 = arith.constant 0 : i32
      %dma_wait3A_206 = tpu.memref_slice %arg14[%run_scoped3A_98, %dma_wait3A_204, %dma_wait3A_205] : memref<2x32x128xf32, #tpu.memory_space<vmem>> -> memref<1x32x128xf32, #tpu.memory_space<vmem>>
      %dma_wait3A_207 = tpu.memref_squeeze %dma_wait3A_206 : memref<1x32x128xf32, #tpu.memory_space<vmem>> -> memref<32x128xf32, #tpu.memory_space<vmem>>
      tpu.wait_dma2 semaphore(%run_scoped3A_183 : memref<!tpu.dma_semaphore, #tpu.memory_space<semaphore_mem>>) src(%dma_wait3A_207 : memref<32x128xf32, #tpu.memory_space<vmem>>) dst(%dma_wait3A_203 : memref<32x128xf32, #tpu.memory_space<vmem_shared>>)
      tpu.yield
    }) : () -> ()
    %mul3A_99 = arith.constant 640 : i32
    %mul3A_100 = arith.muli %arg1, %mul3A_99 : i32
    %add3A_101 = arith.constant 576 : i32
    %add3A_102 = arith.addi %mul3A_100, %add3A_101 : i32
    %run_scoped3A_103 = arith.constant 0 : i32
    "tpu.region"() ({
      %run_scoped3A_183 = tpu.sem_alloc : memref<!tpu.dma_semaphore, #tpu.memory_space<semaphore_mem>>
      %dma_start3A_184 = arith.constant 0 : i32
      %dma_start3A_185 = arith.constant 0 : i32
      %dma_start3A_186 = tpu.memref_slice %arg14[%run_scoped3A_103, %dma_start3A_184, %dma_start3A_185] : memref<2x32x128xf32, #tpu.memory_space<vmem>> -> memref<1x32x128xf32, #tpu.memory_space<vmem>>
      %dma_start3A_187 = tpu.memref_squeeze %dma_start3A_186 : memref<1x32x128xf32, #tpu.memory_space<vmem>> -> memref<32x128xf32, #tpu.memory_space<vmem>>
      %dma_start3A_188 = arith.constant 0 : i32
      %dma_start3A_189 = tpu.memref_slice %arg15[%add3A_102, %dma_start3A_188] : memref<10240x128xf32, #tpu.memory_space<vmem_shared>> -> memref<32x128xf32, #tpu.memory_space<vmem_shared>>
      %dma_start3A_190 = arith.constant 0 : i32
      %dma_start3A_191 = tpu.memref_slice %arg15[%add3A_102, %dma_start3A_190] : memref<10240x128xf32, #tpu.memory_space<vmem_shared>> -> memref<32x128xf32, #tpu.memory_space<vmem_shared>>
      %dma_start3A_192 = arith.constant 0 : i32
      %dma_start3A_193 = arith.constant 0 : i32
      %dma_start3A_194 = tpu.memref_slice %arg14[%run_scoped3A_103, %dma_start3A_192, %dma_start3A_193] : memref<2x32x128xf32, #tpu.memory_space<vmem>> -> memref<1x32x128xf32, #tpu.memory_space<vmem>>
      %dma_start3A_195 = tpu.memref_squeeze %dma_start3A_194 : memref<1x32x128xf32, #tpu.memory_space<vmem>> -> memref<32x128xf32, #tpu.memory_space<vmem>>
      tpu.enqueue_dma source(%dma_start3A_195 : memref<32x128xf32, #tpu.memory_space<vmem>>) target(%dma_start3A_191 : memref<32x128xf32, #tpu.memory_space<vmem_shared>>) target_semaphore(%run_scoped3A_183 : memref<!tpu.dma_semaphore, #tpu.memory_space<semaphore_mem>>)
      %dma_wait3A_196 = arith.constant 0 : i32
      %dma_wait3A_197 = arith.constant 0 : i32
      %dma_wait3A_198 = tpu.memref_slice %arg14[%run_scoped3A_103, %dma_wait3A_196, %dma_wait3A_197] : memref<2x32x128xf32, #tpu.memory_space<vmem>> -> memref<1x32x128xf32, #tpu.memory_space<vmem>>
      %dma_wait3A_199 = tpu.memref_squeeze %dma_wait3A_198 : memref<1x32x128xf32, #tpu.memory_space<vmem>> -> memref<32x128xf32, #tpu.memory_space<vmem>>
      %dma_wait3A_200 = arith.constant 0 : i32
      %dma_wait3A_201 = tpu.memref_slice %arg15[%add3A_102, %dma_wait3A_200] : memref<10240x128xf32, #tpu.memory_space<vmem_shared>> -> memref<32x128xf32, #tpu.memory_space<vmem_shared>>
      %dma_wait3A_202 = arith.constant 0 : i32
      %dma_wait3A_203 = tpu.memref_slice %arg15[%add3A_102, %dma_wait3A_202] : memref<10240x128xf32, #tpu.memory_space<vmem_shared>> -> memref<32x128xf32, #tpu.memory_space<vmem_shared>>
      %dma_wait3A_204 = arith.constant 0 : i32
      %dma_wait3A_205 = arith.constant 0 : i32
      %dma_wait3A_206 = tpu.memref_slice %arg14[%run_scoped3A_103, %dma_wait3A_204, %dma_wait3A_205] : memref<2x32x128xf32, #tpu.memory_space<vmem>> -> memref<1x32x128xf32, #tpu.memory_space<vmem>>
      %dma_wait3A_207 = tpu.memref_squeeze %dma_wait3A_206 : memref<1x32x128xf32, #tpu.memory_space<vmem>> -> memref<32x128xf32, #tpu.memory_space<vmem>>
      tpu.wait_dma2 semaphore(%run_scoped3A_183 : memref<!tpu.dma_semaphore, #tpu.memory_space<semaphore_mem>>) src(%dma_wait3A_207 : memref<32x128xf32, #tpu.memory_space<vmem>>) dst(%dma_wait3A_203 : memref<32x128xf32, #tpu.memory_space<vmem_shared>>)
      tpu.yield
    }) : () -> ()
    %mul3A_104 = arith.constant 640 : i32
    %mul3A_105 = arith.muli %arg1, %mul3A_104 : i32
    %add3A_106 = arith.constant 608 : i32
    %add3A_107 = arith.addi %mul3A_105, %add3A_106 : i32
    %run_scoped3A_108 = arith.constant 0 : i32
    "tpu.region"() ({
      %run_scoped3A_183 = tpu.sem_alloc : memref<!tpu.dma_semaphore, #tpu.memory_space<semaphore_mem>>
      %dma_start3A_184 = arith.constant 0 : i32
      %dma_start3A_185 = arith.constant 0 : i32
      %dma_start3A_186 = tpu.memref_slice %arg14[%run_scoped3A_108, %dma_start3A_184, %dma_start3A_185] : memref<2x32x128xf32, #tpu.memory_space<vmem>> -> memref<1x32x128xf32, #tpu.memory_space<vmem>>
      %dma_start3A_187 = tpu.memref_squeeze %dma_start3A_186 : memref<1x32x128xf32, #tpu.memory_space<vmem>> -> memref<32x128xf32, #tpu.memory_space<vmem>>
      %dma_start3A_188 = arith.constant 0 : i32
      %dma_start3A_189 = tpu.memref_slice %arg15[%add3A_107, %dma_start3A_188] : memref<10240x128xf32, #tpu.memory_space<vmem_shared>> -> memref<32x128xf32, #tpu.memory_space<vmem_shared>>
      %dma_start3A_190 = arith.constant 0 : i32
      %dma_start3A_191 = tpu.memref_slice %arg15[%add3A_107, %dma_start3A_190] : memref<10240x128xf32, #tpu.memory_space<vmem_shared>> -> memref<32x128xf32, #tpu.memory_space<vmem_shared>>
      %dma_start3A_192 = arith.constant 0 : i32
      %dma_start3A_193 = arith.constant 0 : i32
      %dma_start3A_194 = tpu.memref_slice %arg14[%run_scoped3A_108, %dma_start3A_192, %dma_start3A_193] : memref<2x32x128xf32, #tpu.memory_space<vmem>> -> memref<1x32x128xf32, #tpu.memory_space<vmem>>
      %dma_start3A_195 = tpu.memref_squeeze %dma_start3A_194 : memref<1x32x128xf32, #tpu.memory_space<vmem>> -> memref<32x128xf32, #tpu.memory_space<vmem>>
      tpu.enqueue_dma source(%dma_start3A_195 : memref<32x128xf32, #tpu.memory_space<vmem>>) target(%dma_start3A_191 : memref<32x128xf32, #tpu.memory_space<vmem_shared>>) target_semaphore(%run_scoped3A_183 : memref<!tpu.dma_semaphore, #tpu.memory_space<semaphore_mem>>)
      %dma_wait3A_196 = arith.constant 0 : i32
      %dma_wait3A_197 = arith.constant 0 : i32
      %dma_wait3A_198 = tpu.memref_slice %arg14[%run_scoped3A_108, %dma_wait3A_196, %dma_wait3A_197] : memref<2x32x128xf32, #tpu.memory_space<vmem>> -> memref<1x32x128xf32, #tpu.memory_space<vmem>>
      %dma_wait3A_199 = tpu.memref_squeeze %dma_wait3A_198 : memref<1x32x128xf32, #tpu.memory_space<vmem>> -> memref<32x128xf32, #tpu.memory_space<vmem>>
      %dma_wait3A_200 = arith.constant 0 : i32
      %dma_wait3A_201 = tpu.memref_slice %arg15[%add3A_107, %dma_wait3A_200] : memref<10240x128xf32, #tpu.memory_space<vmem_shared>> -> memref<32x128xf32, #tpu.memory_space<vmem_shared>>
      %dma_wait3A_202 = arith.constant 0 : i32
      %dma_wait3A_203 = tpu.memref_slice %arg15[%add3A_107, %dma_wait3A_202] : memref<10240x128xf32, #tpu.memory_space<vmem_shared>> -> memref<32x128xf32, #tpu.memory_space<vmem_shared>>
      %dma_wait3A_204 = arith.constant 0 : i32
      %dma_wait3A_205 = arith.constant 0 : i32
      %dma_wait3A_206 = tpu.memref_slice %arg14[%run_scoped3A_108, %dma_wait3A_204, %dma_wait3A_205] : memref<2x32x128xf32, #tpu.memory_space<vmem>> -> memref<1x32x128xf32, #tpu.memory_space<vmem>>
      %dma_wait3A_207 = tpu.memref_squeeze %dma_wait3A_206 : memref<1x32x128xf32, #tpu.memory_space<vmem>> -> memref<32x128xf32, #tpu.memory_space<vmem>>
      tpu.wait_dma2 semaphore(%run_scoped3A_183 : memref<!tpu.dma_semaphore, #tpu.memory_space<semaphore_mem>>) src(%dma_wait3A_207 : memref<32x128xf32, #tpu.memory_space<vmem>>) dst(%dma_wait3A_203 : memref<32x128xf32, #tpu.memory_space<vmem_shared>>)
      tpu.yield
    }) : () -> ()
    %barrier3A = arith.constant 0 : index
    tpu.barrier barrier_id(%barrier3A)
    %dma_start3A = arith.constant 0 : i32
    %dma_start3A_109 = arith.constant 0 : i32
    %dma_start3A_110 = arith.constant 0 : i32
    %dma_start3A_111 = arith.constant 0 : i32
    %dma_start3A_112 = tpu.memref_slice %arg8[%dma_start3A, %dma_start3A_110, %dma_start3A_111] : memref<2x16x32xi32, #tpu.memory_space<vmem>> -> memref<1x16x32xi32, #tpu.memory_space<vmem>>
    %dma_start3A_113 = tpu.memref_squeeze %dma_start3A_112 : memref<1x16x32xi32, #tpu.memory_space<vmem>> -> memref<16x32xi32, #tpu.memory_space<vmem>>
    %dma_start3A_114 = arith.constant 0 : i32
    %dma_start3A_115 = tpu.memref_slice %arg5[%mul3A_2, %dma_start3A_114] : memref<10240x32xi32, #tpu.memory_space<hbm>> -> memref<16x32xi32, #tpu.memory_space<hbm>>
    %dma_start3A_116 = tpu.memref_slice %arg16[%dma_start3A_109] : memref<2x!tpu.dma_semaphore, #tpu.memory_space<semaphore_mem>> -> memref<1x!tpu.dma_semaphore, #tpu.memory_space<semaphore_mem>>
    %dma_start3A_117 = tpu.memref_squeeze %dma_start3A_116 : memref<1x!tpu.dma_semaphore, #tpu.memory_space<semaphore_mem>> -> memref<!tpu.dma_semaphore, #tpu.memory_space<semaphore_mem>>
    %dma_start3A_118 = arith.constant 0 : i32
    %dma_start3A_119 = arith.constant 0 : i32
    %dma_start3A_120 = tpu.memref_slice %arg8[%dma_start3A, %dma_start3A_118, %dma_start3A_119] : memref<2x16x32xi32, #tpu.memory_space<vmem>> -> memref<1x16x32xi32, #tpu.memory_space<vmem>>
    %dma_start3A_121 = tpu.memref_squeeze %dma_start3A_120 : memref<1x16x32xi32, #tpu.memory_space<vmem>> -> memref<16x32xi32, #tpu.memory_space<vmem>>
    %dma_start3A_122 = arith.constant 0 : i32
    %dma_start3A_123 = tpu.memref_slice %arg5[%mul3A_2, %dma_start3A_122] : memref<10240x32xi32, #tpu.memory_space<hbm>> -> memref<16x32xi32, #tpu.memory_space<hbm>>
    tpu.enqueue_dma source(%dma_start3A_123 : memref<16x32xi32, #tpu.memory_space<hbm>>) target(%dma_start3A_121 : memref<16x32xi32, #tpu.memory_space<vmem>>) target_semaphore(%dma_start3A_117 : memref<!tpu.dma_semaphore, #tpu.memory_space<semaphore_mem>>)
    %dma_start3A_124 = arith.constant 0 : i32
    %dma_start3A_125 = arith.constant 0 : i32
    %dma_start3A_126 = arith.constant 0 : i32
    %dma_start3A_127 = arith.constant 0 : i32
    %dma_start3A_128 = tpu.memref_slice %arg9[%dma_start3A_124, %dma_start3A_126, %dma_start3A_127] : memref<2x16x32xi32, #tpu.memory_space<vmem>> -> memref<1x16x32xi32, #tpu.memory_space<vmem>>
    %dma_start3A_129 = tpu.memref_squeeze %dma_start3A_128 : memref<1x16x32xi32, #tpu.memory_space<vmem>> -> memref<16x32xi32, #tpu.memory_space<vmem>>
    %dma_start3A_130 = arith.constant 0 : i32
    %dma_start3A_131 = tpu.memref_slice %arg6[%mul3A_2, %dma_start3A_130] : memref<10240x32xi32, #tpu.memory_space<hbm>> -> memref<16x32xi32, #tpu.memory_space<hbm>>
    %dma_start3A_132 = tpu.memref_slice %arg16[%dma_start3A_125] : memref<2x!tpu.dma_semaphore, #tpu.memory_space<semaphore_mem>> -> memref<1x!tpu.dma_semaphore, #tpu.memory_space<semaphore_mem>>
    %dma_start3A_133 = tpu.memref_squeeze %dma_start3A_132 : memref<1x!tpu.dma_semaphore, #tpu.memory_space<semaphore_mem>> -> memref<!tpu.dma_semaphore, #tpu.memory_space<semaphore_mem>>
    %dma_start3A_134 = arith.constant 0 : i32
    %dma_start3A_135 = arith.constant 0 : i32
    %dma_start3A_136 = tpu.memref_slice %arg9[%dma_start3A_124, %dma_start3A_134, %dma_start3A_135] : memref<2x16x32xi32, #tpu.memory_space<vmem>> -> memref<1x16x32xi32, #tpu.memory_space<vmem>>
    %dma_start3A_137 = tpu.memref_squeeze %dma_start3A_136 : memref<1x16x32xi32, #tpu.memory_space<vmem>> -> memref<16x32xi32, #tpu.memory_space<vmem>>
    %dma_start3A_138 = arith.constant 0 : i32
    %dma_start3A_139 = tpu.memref_slice %arg6[%mul3A_2, %dma_start3A_138] : memref<10240x32xi32, #tpu.memory_space<hbm>> -> memref<16x32xi32, #tpu.memory_space<hbm>>
    tpu.enqueue_dma source(%dma_start3A_139 : memref<16x32xi32, #tpu.memory_space<hbm>>) target(%dma_start3A_137 : memref<16x32xi32, #tpu.memory_space<vmem>>) target_semaphore(%dma_start3A_133 : memref<!tpu.dma_semaphore, #tpu.memory_space<semaphore_mem>>)
    %broadcast_in_dim3A_140 = arith.constant 2129733610 : i32
    %broadcast_in_dim3A_141 = vector.broadcast %broadcast_in_dim3A_140 : i32 to vector<16xi32>
    %scan3A_142 = arith.constant 0 : i32
    %scan3A_143 = arith.constant 0 : i32
    %scan3A_144 = arith.constant 321 : i32
    %scan3A_145 = arith.addi %scan3A_143, %scan3A_144 : i32
    %scan3A_146 = arith.constant 1 : i32
    %scan3A_147 = scf.for %scan3A_183 = %scan3A_143 to %scan3A_145 step %scan3A_146 iter_args(%scan3A_184 = %scan3A_142) -> (i32)  : i32 {
      %rem3A = arith.constant 2 : i32
      %rem3A_185 = arith.remsi %scan3A_183, %rem3A : i32
      %jit3A = arith.constant 16 : i32
      %div3A = arith.divsi %scan3A_183, %jit3A : i32
      %sign3A = arith.constant 0 : i32
      %sign3A_186 = arith.cmpi sgt, %scan3A_183, %sign3A : i32
      %sign3A_187 = arith.extui %sign3A_186 : i1 to i32
      %sign3A_188 = arith.constant 0 : i32
      %sign3A_189 = arith.cmpi slt, %scan3A_183, %sign3A_188 : i32
      %sign3A_190 = arith.extui %sign3A_189 : i1 to i32
      %sign3A_191 = arith.subi %sign3A_187, %sign3A_190 : i32
      %sign3A_192 = arith.constant 0 : i32
      %sign3A_193 = arith.cmpi sgt, %jit3A, %sign3A_192 : i32
      %sign3A_194 = arith.extui %sign3A_193 : i1 to i32
      %sign3A_195 = arith.constant 0 : i32
      %sign3A_196 = arith.cmpi slt, %jit3A, %sign3A_195 : i32
      %sign3A_197 = arith.extui %sign3A_196 : i1 to i32
      %sign3A_198 = arith.subi %sign3A_194, %sign3A_197 : i32
      %ne3A = arith.cmpi ne, %sign3A_191, %sign3A_198 : i32
      %rem3A_199 = arith.remsi %scan3A_183, %jit3A : i32
      %ne3A_200 = arith.constant 0 : i32
      %ne3A_201 = arith.cmpi ne, %rem3A_199, %ne3A_200 : i32
      %and3A = arith.andi %ne3A, %ne3A_201 : i1
      %sub3A = arith.constant 1 : i32
      %sub3A_202 = arith.subi %div3A, %sub3A : i32
      %select_n3A = arith.select %and3A, %sub3A_202, %div3A : i32
      %rem3A_203 = arith.constant 2 : i32
      %rem3A_204 = arith.remsi %select_n3A, %rem3A_203 : i32
      %rem3A_205 = arith.constant 16 : i32
      %rem3A_206 = arith.remsi %scan3A_183, %rem3A_205 : i32
      %eq3A = arith.constant 0 : i32
      %eq3A_207 = arith.cmpi eq, %rem3A_206, %eq3A : i32
      %lt3A = arith.constant 320 : i32
      %lt3A_208 = arith.cmpi slt, %scan3A_183, %lt3A : i32
      %and3A_209 = arith.andi %eq3A_207, %lt3A_208 : i1
      %convert_element_type3A = arith.extui %and3A_209 : i1 to i32
      %cond3A = arith.constant 0 : i32
      %cond3A_210 = arith.cmpi ne, %convert_element_type3A, %cond3A : i32
      scf.if %cond3A_210 {
        %dma_wait3A_221 = arith.constant 0 : i32
        %dma_wait3A_222 = arith.constant 0 : i32
        %dma_wait3A_223 = tpu.memref_slice %arg8[%rem3A_204, %dma_wait3A_221, %dma_wait3A_222] : memref<2x16x32xi32, #tpu.memory_space<vmem>> -> memref<1x16x32xi32, #tpu.memory_space<vmem>>
        %dma_wait3A_224 = tpu.memref_squeeze %dma_wait3A_223 : memref<1x16x32xi32, #tpu.memory_space<vmem>> -> memref<16x32xi32, #tpu.memory_space<vmem>>
        %dma_wait3A_225 = arith.constant 0 : i32
        %dma_wait3A_226 = arith.constant 0 : i32
        %dma_wait3A_227 = tpu.memref_slice %arg5[%dma_wait3A_225, %dma_wait3A_226] : memref<10240x32xi32, #tpu.memory_space<hbm>> -> memref<16x32xi32, #tpu.memory_space<hbm>>
        %dma_wait3A_228 = tpu.memref_slice %arg16[%rem3A_204] : memref<2x!tpu.dma_semaphore, #tpu.memory_space<semaphore_mem>> -> memref<1x!tpu.dma_semaphore, #tpu.memory_space<semaphore_mem>>
        %dma_wait3A_229 = tpu.memref_squeeze %dma_wait3A_228 : memref<1x!tpu.dma_semaphore, #tpu.memory_space<semaphore_mem>> -> memref<!tpu.dma_semaphore, #tpu.memory_space<semaphore_mem>>
        %dma_wait3A_230 = arith.constant 0 : i32
        %dma_wait3A_231 = arith.constant 0 : i32
        %dma_wait3A_232 = tpu.memref_slice %arg8[%rem3A_204, %dma_wait3A_230, %dma_wait3A_231] : memref<2x16x32xi32, #tpu.memory_space<vmem>> -> memref<1x16x32xi32, #tpu.memory_space<vmem>>
        %dma_wait3A_233 = tpu.memref_squeeze %dma_wait3A_232 : memref<1x16x32xi32, #tpu.memory_space<vmem>> -> memref<16x32xi32, #tpu.memory_space<vmem>>
        %dma_wait3A_234 = arith.constant 0 : i32
        %dma_wait3A_235 = arith.constant 0 : i32
        %dma_wait3A_236 = tpu.memref_slice %arg5[%dma_wait3A_234, %dma_wait3A_235] : memref<10240x32xi32, #tpu.memory_space<hbm>> -> memref<16x32xi32, #tpu.memory_space<hbm>>
        tpu.wait_dma2 semaphore(%dma_wait3A_229 : memref<!tpu.dma_semaphore, #tpu.memory_space<semaphore_mem>>) src(%dma_wait3A_236 : memref<16x32xi32, #tpu.memory_space<hbm>>) dst(%dma_wait3A_233 : memref<16x32xi32, #tpu.memory_space<vmem>>)
        %dma_wait3A_237 = arith.constant 0 : i32
        %dma_wait3A_238 = arith.constant 0 : i32
        %dma_wait3A_239 = tpu.memref_slice %arg9[%rem3A_204, %dma_wait3A_237, %dma_wait3A_238] : memref<2x16x32xi32, #tpu.memory_space<vmem>> -> memref<1x16x32xi32, #tpu.memory_space<vmem>>
        %dma_wait3A_240 = tpu.memref_squeeze %dma_wait3A_239 : memref<1x16x32xi32, #tpu.memory_space<vmem>> -> memref<16x32xi32, #tpu.memory_space<vmem>>
        %dma_wait3A_241 = arith.constant 0 : i32
        %dma_wait3A_242 = arith.constant 0 : i32
        %dma_wait3A_243 = tpu.memref_slice %arg6[%dma_wait3A_241, %dma_wait3A_242] : memref<10240x32xi32, #tpu.memory_space<hbm>> -> memref<16x32xi32, #tpu.memory_space<hbm>>
        %dma_wait3A_244 = tpu.memref_slice %arg16[%rem3A_204] : memref<2x!tpu.dma_semaphore, #tpu.memory_space<semaphore_mem>> -> memref<1x!tpu.dma_semaphore, #tpu.memory_space<semaphore_mem>>
        %dma_wait3A_245 = tpu.memref_squeeze %dma_wait3A_244 : memref<1x!tpu.dma_semaphore, #tpu.memory_space<semaphore_mem>> -> memref<!tpu.dma_semaphore, #tpu.memory_space<semaphore_mem>>
        %dma_wait3A_246 = arith.constant 0 : i32
        %dma_wait3A_247 = arith.constant 0 : i32
        %dma_wait3A_248 = tpu.memref_slice %arg9[%rem3A_204, %dma_wait3A_246, %dma_wait3A_247] : memref<2x16x32xi32, #tpu.memory_space<vmem>> -> memref<1x16x32xi32, #tpu.memory_space<vmem>>
        %dma_wait3A_249 = tpu.memref_squeeze %dma_wait3A_248 : memref<1x16x32xi32, #tpu.memory_space<vmem>> -> memref<16x32xi32, #tpu.memory_space<vmem>>
        %dma_wait3A_250 = arith.constant 0 : i32
        %dma_wait3A_251 = arith.constant 0 : i32
        %dma_wait3A_252 = tpu.memref_slice %arg6[%dma_wait3A_250, %dma_wait3A_251] : memref<10240x32xi32, #tpu.memory_space<hbm>> -> memref<16x32xi32, #tpu.memory_space<hbm>>
        tpu.wait_dma2 semaphore(%dma_wait3A_245 : memref<!tpu.dma_semaphore, #tpu.memory_space<semaphore_mem>>) src(%dma_wait3A_252 : memref<16x32xi32, #tpu.memory_space<hbm>>) dst(%dma_wait3A_249 : memref<16x32xi32, #tpu.memory_space<vmem>>)
      } else {
      }
      %lt3A_211 = arith.constant 320 : i32
      %lt3A_212 = arith.cmpi slt, %scan3A_183, %lt3A_211 : i32
      %convert_element_type3A_213 = arith.extui %lt3A_212 : i1 to i32
      %cond3A_214 = arith.constant 0 : i32
      %cond3A_215 = arith.cmpi ne, %convert_element_type3A_213, %cond3A_214 : i32
      scf.if %cond3A_215 {
        %dma_start3A_221 = arith.constant 0 : i32
        %dma_start3A_222 = arith.constant 0 : i32
        %dma_start3A_223 = tpu.memref_slice %arg11[%rem3A_185, %dma_start3A_221, %dma_start3A_222] : memref<2x32x128xf32, #tpu.memory_space<vmem>> -> memref<1x32x128xf32, #tpu.memory_space<vmem>>
        %dma_start3A_224 = tpu.memref_squeeze %dma_start3A_223 : memref<1x32x128xf32, #tpu.memory_space<vmem>> -> memref<32x128xf32, #tpu.memory_space<vmem>>
        %dma_start3A_225 = arith.constant 0 : i32
        %dma_start3A_226 = tpu.memref_slice %arg9[%rem3A_204, %rem3A_206, %dma_start3A_225] : memref<2x16x32xi32, #tpu.memory_space<vmem>> -> memref<1x1x32xi32, #tpu.memory_space<vmem>>
        %dma_start3A_227 = tpu.memref_squeeze %dma_start3A_226 : memref<1x1x32xi32, #tpu.memory_space<vmem>> -> memref<32xi32, #tpu.memory_space<vmem>>
        %dma_start3A_228 = arith.constant 0 : i32
        %dma_start3A_229 = arith.constant 0 : i32
        %dma_start3A_230 = tpu.memref_slice %arg2[%dma_start3A_228, %dma_start3A_229] : memref<10240x128xf32, #tpu.memory_space<hbm>> -> memref<10240x128xf32, #tpu.memory_space<hbm>>
        %dma_start3A_231 = tpu.memref_slice %arg17[%rem3A_185] : memref<2x!tpu.dma_semaphore, #tpu.memory_space<semaphore_mem>> -> memref<1x!tpu.dma_semaphore, #tpu.memory_space<semaphore_mem>>
        %dma_start3A_232 = tpu.memref_squeeze %dma_start3A_231 : memref<1x!tpu.dma_semaphore, #tpu.memory_space<semaphore_mem>> -> memref<!tpu.dma_semaphore, #tpu.memory_space<semaphore_mem>>
        tpu.enqueue_indirect_dma source(%dma_start3A_230 : memref<10240x128xf32, #tpu.memory_space<hbm>>) target(%dma_start3A_224 : memref<32x128xf32, #tpu.memory_space<vmem>>) offsets(%dma_start3A_227 : memref<32xi32, #tpu.memory_space<vmem>>) semaphore(%dma_start3A_232 : memref<!tpu.dma_semaphore, #tpu.memory_space<semaphore_mem>>)
        %dma_start3A_233 = arith.constant 0 : i32
        %dma_start3A_234 = arith.constant 0 : i32
        %dma_start3A_235 = tpu.memref_slice %arg12[%rem3A_185, %dma_start3A_233, %dma_start3A_234] : memref<2x32x128xf32, #tpu.memory_space<vmem>> -> memref<1x32x128xf32, #tpu.memory_space<vmem>>
        %dma_start3A_236 = tpu.memref_squeeze %dma_start3A_235 : memref<1x32x128xf32, #tpu.memory_space<vmem>> -> memref<32x128xf32, #tpu.memory_space<vmem>>
        %dma_start3A_237 = arith.constant 0 : i32
        %dma_start3A_238 = tpu.memref_slice %arg8[%rem3A_204, %rem3A_206, %dma_start3A_237] : memref<2x16x32xi32, #tpu.memory_space<vmem>> -> memref<1x1x32xi32, #tpu.memory_space<vmem>>
        %dma_start3A_239 = tpu.memref_squeeze %dma_start3A_238 : memref<1x1x32xi32, #tpu.memory_space<vmem>> -> memref<32xi32, #tpu.memory_space<vmem>>
        %dma_start3A_240 = arith.constant 0 : i32
        %dma_start3A_241 = arith.constant 0 : i32
        %dma_start3A_242 = tpu.memref_slice %arg3[%dma_start3A_240, %dma_start3A_241] : memref<10240x128xf32, #tpu.memory_space<hbm>> -> memref<10240x128xf32, #tpu.memory_space<hbm>>
        %dma_start3A_243 = tpu.memref_slice %arg17[%rem3A_185] : memref<2x!tpu.dma_semaphore, #tpu.memory_space<semaphore_mem>> -> memref<1x!tpu.dma_semaphore, #tpu.memory_space<semaphore_mem>>
        %dma_start3A_244 = tpu.memref_squeeze %dma_start3A_243 : memref<1x!tpu.dma_semaphore, #tpu.memory_space<semaphore_mem>> -> memref<!tpu.dma_semaphore, #tpu.memory_space<semaphore_mem>>
        tpu.enqueue_indirect_dma source(%dma_start3A_242 : memref<10240x128xf32, #tpu.memory_space<hbm>>) target(%dma_start3A_236 : memref<32x128xf32, #tpu.memory_space<vmem>>) offsets(%dma_start3A_239 : memref<32xi32, #tpu.memory_space<vmem>>) semaphore(%dma_start3A_244 : memref<!tpu.dma_semaphore, #tpu.memory_space<semaphore_mem>>)
        %dma_start3A_245 = arith.constant 0 : i32
        %dma_start3A_246 = arith.constant 0 : i32
        %dma_start3A_247 = tpu.memref_slice %arg13[%rem3A_185, %dma_start3A_245, %dma_start3A_246] : memref<2x32x128xf32, #tpu.memory_space<vmem>> -> memref<1x32x128xf32, #tpu.memory_space<vmem>>
        %dma_start3A_248 = tpu.memref_squeeze %dma_start3A_247 : memref<1x32x128xf32, #tpu.memory_space<vmem>> -> memref<32x128xf32, #tpu.memory_space<vmem>>
        %dma_start3A_249 = arith.constant 0 : i32
        %dma_start3A_250 = tpu.memref_slice %arg8[%rem3A_204, %rem3A_206, %dma_start3A_249] : memref<2x16x32xi32, #tpu.memory_space<vmem>> -> memref<1x1x32xi32, #tpu.memory_space<vmem>>
        %dma_start3A_251 = tpu.memref_squeeze %dma_start3A_250 : memref<1x1x32xi32, #tpu.memory_space<vmem>> -> memref<32xi32, #tpu.memory_space<vmem>>
        %dma_start3A_252 = arith.constant 0 : i32
        %dma_start3A_253 = arith.constant 0 : i32
        %dma_start3A_254 = tpu.memref_slice %arg4[%dma_start3A_252, %dma_start3A_253] : memref<10240x128xf32, #tpu.memory_space<hbm>> -> memref<10240x128xf32, #tpu.memory_space<hbm>>
        %dma_start3A_255 = tpu.memref_slice %arg17[%rem3A_185] : memref<2x!tpu.dma_semaphore, #tpu.memory_space<semaphore_mem>> -> memref<1x!tpu.dma_semaphore, #tpu.memory_space<semaphore_mem>>
        %dma_start3A_256 = tpu.memref_squeeze %dma_start3A_255 : memref<1x!tpu.dma_semaphore, #tpu.memory_space<semaphore_mem>> -> memref<!tpu.dma_semaphore, #tpu.memory_space<semaphore_mem>>
        tpu.enqueue_indirect_dma source(%dma_start3A_254 : memref<10240x128xf32, #tpu.memory_space<hbm>>) target(%dma_start3A_248 : memref<32x128xf32, #tpu.memory_space<vmem>>) offsets(%dma_start3A_251 : memref<32xi32, #tpu.memory_space<vmem>>) semaphore(%dma_start3A_256 : memref<!tpu.dma_semaphore, #tpu.memory_space<semaphore_mem>>)
      } else {
      }
      %gt3A = arith.constant 0 : i32
      %gt3A_216 = arith.cmpi sgt, %scan3A_183, %gt3A : i32
      %convert_element_type3A_217 = arith.extui %gt3A_216 : i1 to i32
      %cond3A_218 = arith.constant 0 : i32
      %cond3A_219 = arith.cmpi ne, %convert_element_type3A_217, %cond3A_218 : i32
      scf.if %cond3A_219 {
        %sub3A_221 = arith.constant 1 : i32
        %sub3A_222 = arith.subi %scan3A_183, %sub3A_221 : i32
        %sub3A_223 = arith.constant 1 : i32
        %sub3A_224 = arith.subi %sub3A_223, %rem3A_185 : i32
        %jit3A_225 = arith.constant 16 : i32
        %div3A_226 = arith.divsi %sub3A_222, %jit3A_225 : i32
        %sign3A_227 = arith.constant 0 : i32
        %sign3A_228 = arith.cmpi sgt, %sub3A_222, %sign3A_227 : i32
        %sign3A_229 = arith.extui %sign3A_228 : i1 to i32
        %sign3A_230 = arith.constant 0 : i32
        %sign3A_231 = arith.cmpi slt, %sub3A_222, %sign3A_230 : i32
        %sign3A_232 = arith.extui %sign3A_231 : i1 to i32
        %sign3A_233 = arith.subi %sign3A_229, %sign3A_232 : i32
        %sign3A_234 = arith.constant 0 : i32
        %sign3A_235 = arith.cmpi sgt, %jit3A_225, %sign3A_234 : i32
        %sign3A_236 = arith.extui %sign3A_235 : i1 to i32
        %sign3A_237 = arith.constant 0 : i32
        %sign3A_238 = arith.cmpi slt, %jit3A_225, %sign3A_237 : i32
        %sign3A_239 = arith.extui %sign3A_238 : i1 to i32
        %sign3A_240 = arith.subi %sign3A_236, %sign3A_239 : i32
        %ne3A_241 = arith.cmpi ne, %sign3A_233, %sign3A_240 : i32
        %rem3A_242 = arith.remsi %sub3A_222, %jit3A_225 : i32
        %ne3A_243 = arith.constant 0 : i32
        %ne3A_244 = arith.cmpi ne, %rem3A_242, %ne3A_243 : i32
        %and3A_245 = arith.andi %ne3A_241, %ne3A_244 : i1
        %sub3A_246 = arith.constant 1 : i32
        %sub3A_247 = arith.subi %div3A_226, %sub3A_246 : i32
        %select_n3A_248 = arith.select %and3A_245, %sub3A_247, %div3A_226 : i32
        %rem3A_249 = arith.constant 2 : i32
        %rem3A_250 = arith.remsi %select_n3A_248, %rem3A_249 : i32
        %rem3A_251 = arith.constant 16 : i32
        %rem3A_252 = arith.remsi %sub3A_222, %rem3A_251 : i32
        %dma_wait3A_253 = arith.constant 0 : i32
        %dma_wait3A_254 = arith.constant 0 : i32
        %dma_wait3A_255 = arith.constant 0 : i32
        %dma_wait3A_256 = arith.constant 0 : i32
        %dma_wait3A_257 = tpu.memref_slice %arg11[%sub3A_224, %dma_wait3A_255, %dma_wait3A_256] : memref<2x32x128xf32, #tpu.memory_space<vmem>> -> memref<1x32x128xf32, #tpu.memory_space<vmem>>
        %dma_wait3A_258 = tpu.memref_squeeze %dma_wait3A_257 : memref<1x32x128xf32, #tpu.memory_space<vmem>> -> memref<32x128xf32, #tpu.memory_space<vmem>>
        %dma_wait3A_259 = arith.constant 0 : i32
        %dma_wait3A_260 = tpu.memref_slice %arg9[%dma_wait3A_253, %dma_wait3A_254, %dma_wait3A_259] : memref<2x16x32xi32, #tpu.memory_space<vmem>> -> memref<1x1x32xi32, #tpu.memory_space<vmem>>
        %dma_wait3A_261 = tpu.memref_squeeze %dma_wait3A_260 : memref<1x1x32xi32, #tpu.memory_space<vmem>> -> memref<32xi32, #tpu.memory_space<vmem>>
        %dma_wait3A_262 = arith.constant 0 : i32
        %dma_wait3A_263 = arith.constant 0 : i32
        %dma_wait3A_264 = tpu.memref_slice %arg2[%dma_wait3A_262, %dma_wait3A_263] : memref<10240x128xf32, #tpu.memory_space<hbm>> -> memref<10240x128xf32, #tpu.memory_space<hbm>>
        %dma_wait3A_265 = tpu.memref_slice %arg17[%sub3A_224] : memref<2x!tpu.dma_semaphore, #tpu.memory_space<semaphore_mem>> -> memref<1x!tpu.dma_semaphore, #tpu.memory_space<semaphore_mem>>
        %dma_wait3A_266 = tpu.memref_squeeze %dma_wait3A_265 : memref<1x!tpu.dma_semaphore, #tpu.memory_space<semaphore_mem>> -> memref<!tpu.dma_semaphore, #tpu.memory_space<semaphore_mem>>
        tpu.wait_indirect_dma semaphore(%dma_wait3A_266 : memref<!tpu.dma_semaphore, #tpu.memory_space<semaphore_mem>>) src(%dma_wait3A_264 : memref<10240x128xf32, #tpu.memory_space<hbm>>) dst(%dma_wait3A_258 : memref<32x128xf32, #tpu.memory_space<vmem>>)
        %dma_wait3A_267 = arith.constant 0 : i32
        %dma_wait3A_268 = arith.constant 0 : i32
        %dma_wait3A_269 = arith.constant 0 : i32
        %dma_wait3A_270 = arith.constant 0 : i32
        %dma_wait3A_271 = tpu.memref_slice %arg12[%sub3A_224, %dma_wait3A_269, %dma_wait3A_270] : memref<2x32x128xf32, #tpu.memory_space<vmem>> -> memref<1x32x128xf32, #tpu.memory_space<vmem>>
        %dma_wait3A_272 = tpu.memref_squeeze %dma_wait3A_271 : memref<1x32x128xf32, #tpu.memory_space<vmem>> -> memref<32x128xf32, #tpu.memory_space<vmem>>
        %dma_wait3A_273 = arith.constant 0 : i32
        %dma_wait3A_274 = tpu.memref_slice %arg8[%dma_wait3A_267, %dma_wait3A_268, %dma_wait3A_273] : memref<2x16x32xi32, #tpu.memory_space<vmem>> -> memref<1x1x32xi32, #tpu.memory_space<vmem>>
        %dma_wait3A_275 = tpu.memref_squeeze %dma_wait3A_274 : memref<1x1x32xi32, #tpu.memory_space<vmem>> -> memref<32xi32, #tpu.memory_space<vmem>>
        %dma_wait3A_276 = arith.constant 0 : i32
        %dma_wait3A_277 = arith.constant 0 : i32
        %dma_wait3A_278 = tpu.memref_slice %arg3[%dma_wait3A_276, %dma_wait3A_277] : memref<10240x128xf32, #tpu.memory_space<hbm>> -> memref<10240x128xf32, #tpu.memory_space<hbm>>
        %dma_wait3A_279 = tpu.memref_slice %arg17[%sub3A_224] : memref<2x!tpu.dma_semaphore, #tpu.memory_space<semaphore_mem>> -> memref<1x!tpu.dma_semaphore, #tpu.memory_space<semaphore_mem>>
        %dma_wait3A_280 = tpu.memref_squeeze %dma_wait3A_279 : memref<1x!tpu.dma_semaphore, #tpu.memory_space<semaphore_mem>> -> memref<!tpu.dma_semaphore, #tpu.memory_space<semaphore_mem>>
        tpu.wait_indirect_dma semaphore(%dma_wait3A_280 : memref<!tpu.dma_semaphore, #tpu.memory_space<semaphore_mem>>) src(%dma_wait3A_278 : memref<10240x128xf32, #tpu.memory_space<hbm>>) dst(%dma_wait3A_272 : memref<32x128xf32, #tpu.memory_space<vmem>>)
        %dma_wait3A_281 = arith.constant 0 : i32
        %dma_wait3A_282 = arith.constant 0 : i32
        %dma_wait3A_283 = arith.constant 0 : i32
        %dma_wait3A_284 = arith.constant 0 : i32
        %dma_wait3A_285 = tpu.memref_slice %arg13[%sub3A_224, %dma_wait3A_283, %dma_wait3A_284] : memref<2x32x128xf32, #tpu.memory_space<vmem>> -> memref<1x32x128xf32, #tpu.memory_space<vmem>>
        %dma_wait3A_286 = tpu.memref_squeeze %dma_wait3A_285 : memref<1x32x128xf32, #tpu.memory_space<vmem>> -> memref<32x128xf32, #tpu.memory_space<vmem>>
        %dma_wait3A_287 = arith.constant 0 : i32
        %dma_wait3A_288 = tpu.memref_slice %arg8[%dma_wait3A_281, %dma_wait3A_282, %dma_wait3A_287] : memref<2x16x32xi32, #tpu.memory_space<vmem>> -> memref<1x1x32xi32, #tpu.memory_space<vmem>>
        %dma_wait3A_289 = tpu.memref_squeeze %dma_wait3A_288 : memref<1x1x32xi32, #tpu.memory_space<vmem>> -> memref<32xi32, #tpu.memory_space<vmem>>
        %dma_wait3A_290 = arith.constant 0 : i32
        %dma_wait3A_291 = arith.constant 0 : i32
        %dma_wait3A_292 = tpu.memref_slice %arg4[%dma_wait3A_290, %dma_wait3A_291] : memref<10240x128xf32, #tpu.memory_space<hbm>> -> memref<10240x128xf32, #tpu.memory_space<hbm>>
        %dma_wait3A_293 = tpu.memref_slice %arg17[%sub3A_224] : memref<2x!tpu.dma_semaphore, #tpu.memory_space<semaphore_mem>> -> memref<1x!tpu.dma_semaphore, #tpu.memory_space<semaphore_mem>>
        %dma_wait3A_294 = tpu.memref_squeeze %dma_wait3A_293 : memref<1x!tpu.dma_semaphore, #tpu.memory_space<semaphore_mem>> -> memref<!tpu.dma_semaphore, #tpu.memory_space<semaphore_mem>>
        tpu.wait_indirect_dma semaphore(%dma_wait3A_294 : memref<!tpu.dma_semaphore, #tpu.memory_space<semaphore_mem>>) src(%dma_wait3A_292 : memref<10240x128xf32, #tpu.memory_space<hbm>>) dst(%dma_wait3A_286 : memref<32x128xf32, #tpu.memory_space<vmem>>)
        %eq3A_295 = arith.constant 1 : i32
        %eq3A_296 = arith.cmpi eq, %rem3A_206, %eq3A_295 : i32
        %add3A_297 = arith.constant 1 : i32
        %add3A_298 = arith.addi %select_n3A, %add3A_297 : i32
        %lt3A_299 = arith.constant 20 : i32
        %lt3A_300 = arith.cmpi slt, %add3A_298, %lt3A_299 : i32
        %and3A_301 = arith.andi %eq3A_296, %lt3A_300 : i1
        %convert_element_type3A_302 = arith.extui %and3A_301 : i1 to i32
        %cond3A_303 = arith.constant 0 : i32
        %cond3A_304 = arith.cmpi ne, %convert_element_type3A_302, %cond3A_303 : i32
        scf.if %cond3A_304 {
          %add3A_340 = arith.constant 1 : i32
          %add3A_341 = arith.addi %select_n3A, %add3A_340 : i32
          %mul3A_342 = arith.constant 16 : i32
          %mul3A_343 = arith.muli %add3A_341, %mul3A_342 : i32
          %add3A_344 = arith.addi %mul3A_2, %mul3A_343 : i32
          %sub3A_345 = arith.constant 1 : i32
          %sub3A_346 = arith.subi %sub3A_345, %rem3A_204 : i32
          %sub3A_347 = arith.constant 1 : i32
          %sub3A_348 = arith.subi %sub3A_347, %rem3A_204 : i32
          %dma_start3A_349 = arith.constant 0 : i32
          %dma_start3A_350 = arith.constant 0 : i32
          %dma_start3A_351 = tpu.memref_slice %arg8[%sub3A_346, %dma_start3A_349, %dma_start3A_350] : memref<2x16x32xi32, #tpu.memory_space<vmem>> -> memref<1x16x32xi32, #tpu.memory_space<vmem>>
          %dma_start3A_352 = tpu.memref_squeeze %dma_start3A_351 : memref<1x16x32xi32, #tpu.memory_space<vmem>> -> memref<16x32xi32, #tpu.memory_space<vmem>>
          %dma_start3A_353 = arith.constant 0 : i32
          %dma_start3A_354 = tpu.memref_slice %arg5[%add3A_344, %dma_start3A_353] : memref<10240x32xi32, #tpu.memory_space<hbm>> -> memref<16x32xi32, #tpu.memory_space<hbm>>
          %dma_start3A_355 = tpu.memref_slice %arg16[%sub3A_348] : memref<2x!tpu.dma_semaphore, #tpu.memory_space<semaphore_mem>> -> memref<1x!tpu.dma_semaphore, #tpu.memory_space<semaphore_mem>>
          %dma_start3A_356 = tpu.memref_squeeze %dma_start3A_355 : memref<1x!tpu.dma_semaphore, #tpu.memory_space<semaphore_mem>> -> memref<!tpu.dma_semaphore, #tpu.memory_space<semaphore_mem>>
          %dma_start3A_357 = arith.constant 0 : i32
          %dma_start3A_358 = arith.constant 0 : i32
          %dma_start3A_359 = tpu.memref_slice %arg8[%sub3A_346, %dma_start3A_357, %dma_start3A_358] : memref<2x16x32xi32, #tpu.memory_space<vmem>> -> memref<1x16x32xi32, #tpu.memory_space<vmem>>
          %dma_start3A_360 = tpu.memref_squeeze %dma_start3A_359 : memref<1x16x32xi32, #tpu.memory_space<vmem>> -> memref<16x32xi32, #tpu.memory_space<vmem>>
          %dma_start3A_361 = arith.constant 0 : i32
          %dma_start3A_362 = tpu.memref_slice %arg5[%add3A_344, %dma_start3A_361] : memref<10240x32xi32, #tpu.memory_space<hbm>> -> memref<16x32xi32, #tpu.memory_space<hbm>>
          tpu.enqueue_dma source(%dma_start3A_362 : memref<16x32xi32, #tpu.memory_space<hbm>>) target(%dma_start3A_360 : memref<16x32xi32, #tpu.memory_space<vmem>>) target_semaphore(%dma_start3A_356 : memref<!tpu.dma_semaphore, #tpu.memory_space<semaphore_mem>>)
          %add3A_363 = arith.constant 1 : i32
          %add3A_364 = arith.addi %select_n3A, %add3A_363 : i32
          %mul3A_365 = arith.constant 16 : i32
          %mul3A_366 = arith.muli %add3A_364, %mul3A_365 : i32
          %add3A_367 = arith.addi %mul3A_2, %mul3A_366 : i32
          %sub3A_368 = arith.constant 1 : i32
          %sub3A_369 = arith.subi %sub3A_368, %rem3A_204 : i32
          %sub3A_370 = arith.constant 1 : i32
          %sub3A_371 = arith.subi %sub3A_370, %rem3A_204 : i32
          %dma_start3A_372 = arith.constant 0 : i32
          %dma_start3A_373 = arith.constant 0 : i32
          %dma_start3A_374 = tpu.memref_slice %arg9[%sub3A_369, %dma_start3A_372, %dma_start3A_373] : memref<2x16x32xi32, #tpu.memory_space<vmem>> -> memref<1x16x32xi32, #tpu.memory_space<vmem>>
          %dma_start3A_375 = tpu.memref_squeeze %dma_start3A_374 : memref<1x16x32xi32, #tpu.memory_space<vmem>> -> memref<16x32xi32, #tpu.memory_space<vmem>>
          %dma_start3A_376 = arith.constant 0 : i32
          %dma_start3A_377 = tpu.memref_slice %arg6[%add3A_367, %dma_start3A_376] : memref<10240x32xi32, #tpu.memory_space<hbm>> -> memref<16x32xi32, #tpu.memory_space<hbm>>
          %dma_start3A_378 = tpu.memref_slice %arg16[%sub3A_371] : memref<2x!tpu.dma_semaphore, #tpu.memory_space<semaphore_mem>> -> memref<1x!tpu.dma_semaphore, #tpu.memory_space<semaphore_mem>>
          %dma_start3A_379 = tpu.memref_squeeze %dma_start3A_378 : memref<1x!tpu.dma_semaphore, #tpu.memory_space<semaphore_mem>> -> memref<!tpu.dma_semaphore, #tpu.memory_space<semaphore_mem>>
          %dma_start3A_380 = arith.constant 0 : i32
          %dma_start3A_381 = arith.constant 0 : i32
          %dma_start3A_382 = tpu.memref_slice %arg9[%sub3A_369, %dma_start3A_380, %dma_start3A_381] : memref<2x16x32xi32, #tpu.memory_space<vmem>> -> memref<1x16x32xi32, #tpu.memory_space<vmem>>
          %dma_start3A_383 = tpu.memref_squeeze %dma_start3A_382 : memref<1x16x32xi32, #tpu.memory_space<vmem>> -> memref<16x32xi32, #tpu.memory_space<vmem>>
          %dma_start3A_384 = arith.constant 0 : i32
          %dma_start3A_385 = tpu.memref_slice %arg6[%add3A_367, %dma_start3A_384] : memref<10240x32xi32, #tpu.memory_space<hbm>> -> memref<16x32xi32, #tpu.memory_space<hbm>>
          tpu.enqueue_dma source(%dma_start3A_385 : memref<16x32xi32, #tpu.memory_space<hbm>>) target(%dma_start3A_383 : memref<16x32xi32, #tpu.memory_space<vmem>>) target_semaphore(%dma_start3A_379 : memref<!tpu.dma_semaphore, #tpu.memory_space<semaphore_mem>>)
        } else {
        }
        %ge3A = arith.constant 2 : i32
        %ge3A_305 = arith.cmpi sge, %sub3A_222, %ge3A : i32
        %convert_element_type3A_306 = arith.extui %ge3A_305 : i1 to i32
        %cond3A_307 = arith.constant 0 : i32
        %cond3A_308 = arith.cmpi ne, %convert_element_type3A_306, %cond3A_307 : i32
        scf.if %cond3A_308 {
          %dma_wait3A_340 = arith.constant 0 : i32
          %dma_wait3A_341 = arith.constant 0 : i32
          %dma_wait3A_342 = tpu.memref_slice %arg14[%sub3A_224, %dma_wait3A_340, %dma_wait3A_341] : memref<2x32x128xf32, #tpu.memory_space<vmem>> -> memref<1x32x128xf32, #tpu.memory_space<vmem>>
          %dma_wait3A_343 = tpu.memref_squeeze %dma_wait3A_342 : memref<1x32x128xf32, #tpu.memory_space<vmem>> -> memref<32x128xf32, #tpu.memory_space<vmem>>
          %dma_wait3A_344 = arith.constant 0 : i32
          %dma_wait3A_345 = tpu.memref_slice %arg10[%sub3A_224, %dma_wait3A_344] : memref<2x32xi32, #tpu.memory_space<vmem>> -> memref<1x32xi32, #tpu.memory_space<vmem>>
          %dma_wait3A_346 = tpu.memref_squeeze %dma_wait3A_345 : memref<1x32xi32, #tpu.memory_space<vmem>> -> memref<32xi32, #tpu.memory_space<vmem>>
          %dma_wait3A_347 = arith.constant 0 : i32
          %dma_wait3A_348 = arith.constant 0 : i32
          %dma_wait3A_349 = tpu.memref_slice %arg15[%dma_wait3A_347, %dma_wait3A_348] : memref<10240x128xf32, #tpu.memory_space<vmem_shared>> -> memref<10240x128xf32, #tpu.memory_space<vmem_shared>>
          %dma_wait3A_350 = tpu.memref_slice %arg18[%sub3A_224] : memref<2x!tpu.dma_semaphore, #tpu.memory_space<semaphore_mem>> -> memref<1x!tpu.dma_semaphore, #tpu.memory_space<semaphore_mem>>
          %dma_wait3A_351 = tpu.memref_squeeze %dma_wait3A_350 : memref<1x!tpu.dma_semaphore, #tpu.memory_space<semaphore_mem>> -> memref<!tpu.dma_semaphore, #tpu.memory_space<semaphore_mem>>
          tpu.wait_indirect_dma semaphore(%dma_wait3A_351 : memref<!tpu.dma_semaphore, #tpu.memory_space<semaphore_mem>>) src(%dma_wait3A_343 : memref<32x128xf32, #tpu.memory_space<vmem>>) dst(%dma_wait3A_349 : memref<10240x128xf32, #tpu.memory_space<vmem_shared>>)
        } else {
        }
        %get3A = arith.index_cast %rem3A_250 : i32 to index
        %get3A_309 = arith.index_cast %rem3A_252 : i32 to index
        %get3A_310 = arith.constant 0 : index
        %get3A_311 = tpu.vector_load %arg9[%get3A, %get3A_309, %get3A_310] {strides = array<i32>} : memref<2x16x32xi32, #tpu.memory_space<vmem>>, vector<16xi32>,
        %swap3A = arith.index_cast %sub3A_224 : i32 to index
        %swap3A_312 = arith.constant 0 : index
        %swap3A_313 = tpu.vector_load %arg10[%swap3A, %swap3A_312] {strides = array<i32>} : memref<2x32xi32, #tpu.memory_space<vmem>>, vector<16xi32>,
        tpu.vector_store %arg10[%swap3A, %swap3A_312], %get3A_311 {strides = array<i32>} : memref<2x32xi32, #tpu.memory_space<vmem>>, vector<16xi32>,
        %get3A_314 = arith.index_cast %rem3A_250 : i32 to index
        %get3A_315 = arith.index_cast %rem3A_252 : i32 to index
        %get3A_316 = arith.constant 16 : index
        %get3A_317 = tpu.vector_load %arg9[%get3A_314, %get3A_315, %get3A_316] {strides = array<i32>} : memref<2x16x32xi32, #tpu.memory_space<vmem>>, vector<16xi32>,
        %swap3A_318 = arith.index_cast %sub3A_224 : i32 to index
        %swap3A_319 = arith.constant 16 : index
        %swap3A_320 = tpu.vector_load %arg10[%swap3A_318, %swap3A_319] {strides = array<i32>} : memref<2x32xi32, #tpu.memory_space<vmem>>, vector<16xi32>,
        tpu.vector_store %arg10[%swap3A_318, %swap3A_319], %get3A_317 {strides = array<i32>} : memref<2x32xi32, #tpu.memory_space<vmem>>, vector<16xi32>,
        %scan3A_321 = arith.constant 0 : i32
        %scan3A_322 = arith.constant 0 : i32
        %scan3A_323 = arith.constant 32 : i32
        %scan3A_324 = arith.addi %scan3A_322, %scan3A_323 : i32
        %scan3A_325 = arith.constant 1 : i32
        %scan3A_326 = scf.for %scan3A_340 = %scan3A_322 to %scan3A_324 step %scan3A_325 iter_args(%scan3A_341 = %scan3A_321) -> (i32)  : i32 {
          %get3A_342 = arith.index_cast %sub3A_224 : i32 to index
          %get3A_343 = arith.index_cast %scan3A_340 : i32 to index
          %get3A_344 = arith.constant 0 : index
          %get3A_345 = tpu.vector_load %arg11[%get3A_342, %get3A_343, %get3A_344] {strides = array<i32>} : memref<2x32x128xf32, #tpu.memory_space<vmem>>, vector<16xf32>,
          %get3A_346 = arith.index_cast %sub3A_224 : i32 to index
          %get3A_347 = arith.index_cast %scan3A_340 : i32 to index
          %get3A_348 = arith.constant 16 : index
          %get3A_349 = tpu.vector_load %arg11[%get3A_346, %get3A_347, %get3A_348] {strides = array<i32>} : memref<2x32x128xf32, #tpu.memory_space<vmem>>, vector<16xf32>,
          %get3A_350 = arith.index_cast %sub3A_224 : i32 to index
          %get3A_351 = arith.index_cast %scan3A_340 : i32 to index
          %get3A_352 = arith.constant 32 : index
          %get3A_353 = tpu.vector_load %arg11[%get3A_350, %get3A_351, %get3A_352] {strides = array<i32>} : memref<2x32x128xf32, #tpu.memory_space<vmem>>, vector<16xf32>,
          %get3A_354 = arith.index_cast %sub3A_224 : i32 to index
          %get3A_355 = arith.index_cast %scan3A_340 : i32 to index
          %get3A_356 = arith.constant 48 : index
          %get3A_357 = tpu.vector_load %arg11[%get3A_354, %get3A_355, %get3A_356] {strides = array<i32>} : memref<2x32x128xf32, #tpu.memory_space<vmem>>, vector<16xf32>,
          %get3A_358 = arith.index_cast %sub3A_224 : i32 to index
          %get3A_359 = arith.index_cast %scan3A_340 : i32 to index
          %get3A_360 = arith.constant 64 : index
          %get3A_361 = tpu.vector_load %arg11[%get3A_358, %get3A_359, %get3A_360] {strides = array<i32>} : memref<2x32x128xf32, #tpu.memory_space<vmem>>, vector<16xf32>,
          %get3A_362 = arith.index_cast %sub3A_224 : i32 to index
          %get3A_363 = arith.index_cast %scan3A_340 : i32 to index
          %get3A_364 = arith.constant 80 : index
          %get3A_365 = tpu.vector_load %arg11[%get3A_362, %get3A_363, %get3A_364] {strides = array<i32>} : memref<2x32x128xf32, #tpu.memory_space<vmem>>, vector<16xf32>,
          %get3A_366 = arith.index_cast %sub3A_224 : i32 to index
          %get3A_367 = arith.index_cast %scan3A_340 : i32 to index
          %get3A_368 = arith.constant 96 : index
          %get3A_369 = tpu.vector_load %arg11[%get3A_366, %get3A_367, %get3A_368] {strides = array<i32>} : memref<2x32x128xf32, #tpu.memory_space<vmem>>, vector<16xf32>,
          %get3A_370 = arith.index_cast %sub3A_224 : i32 to index
          %get3A_371 = arith.index_cast %scan3A_340 : i32 to index
          %get3A_372 = arith.constant 112 : index
          %get3A_373 = tpu.vector_load %arg11[%get3A_370, %get3A_371, %get3A_372] {strides = array<i32>} : memref<2x32x128xf32, #tpu.memory_space<vmem>>, vector<16xf32>,
          %get3A_374 = arith.index_cast %sub3A_224 : i32 to index
          %get3A_375 = arith.index_cast %scan3A_340 : i32 to index
          %get3A_376 = arith.constant 0 : index
          %get3A_377 = tpu.vector_load %arg12[%get3A_374, %get3A_375, %get3A_376] {strides = array<i32>} : memref<2x32x128xf32, #tpu.memory_space<vmem>>, vector<16xf32>,
          %get3A_378 = arith.index_cast %sub3A_224 : i32 to index
          %get3A_379 = arith.index_cast %scan3A_340 : i32 to index
          %get3A_380 = arith.constant 16 : index
          %get3A_381 = tpu.vector_load %arg12[%get3A_378, %get3A_379, %get3A_380] {strides = array<i32>} : memref<2x32x128xf32, #tpu.memory_space<vmem>>, vector<16xf32>,
          %get3A_382 = arith.index_cast %sub3A_224 : i32 to index
          %get3A_383 = arith.index_cast %scan3A_340 : i32 to index
          %get3A_384 = arith.constant 32 : index
          %get3A_385 = tpu.vector_load %arg12[%get3A_382, %get3A_383, %get3A_384] {strides = array<i32>} : memref<2x32x128xf32, #tpu.memory_space<vmem>>, vector<16xf32>,
          %get3A_386 = arith.index_cast %sub3A_224 : i32 to index
          %get3A_387 = arith.index_cast %scan3A_340 : i32 to index
          %get3A_388 = arith.constant 48 : index
          %get3A_389 = tpu.vector_load %arg12[%get3A_386, %get3A_387, %get3A_388] {strides = array<i32>} : memref<2x32x128xf32, #tpu.memory_space<vmem>>, vector<16xf32>,
          %get3A_390 = arith.index_cast %sub3A_224 : i32 to index
          %get3A_391 = arith.index_cast %scan3A_340 : i32 to index
          %get3A_392 = arith.constant 64 : index
          %get3A_393 = tpu.vector_load %arg12[%get3A_390, %get3A_391, %get3A_392] {strides = array<i32>} : memref<2x32x128xf32, #tpu.memory_space<vmem>>, vector<16xf32>,
          %get3A_394 = arith.index_cast %sub3A_224 : i32 to index
          %get3A_395 = arith.index_cast %scan3A_340 : i32 to index
          %get3A_396 = arith.constant 80 : index
          %get3A_397 = tpu.vector_load %arg12[%get3A_394, %get3A_395, %get3A_396] {strides = array<i32>} : memref<2x32x128xf32, #tpu.memory_space<vmem>>, vector<16xf32>,
          %get3A_398 = arith.index_cast %sub3A_224 : i32 to index
          %get3A_399 = arith.index_cast %scan3A_340 : i32 to index
          %get3A_400 = arith.constant 96 : index
          %get3A_401 = tpu.vector_load %arg12[%get3A_398, %get3A_399, %get3A_400] {strides = array<i32>} : memref<2x32x128xf32, #tpu.memory_space<vmem>>, vector<16xf32>,
          %get3A_402 = arith.index_cast %sub3A_224 : i32 to index
          %get3A_403 = arith.index_cast %scan3A_340 : i32 to index
          %get3A_404 = arith.constant 112 : index
          %get3A_405 = tpu.vector_load %arg12[%get3A_402, %get3A_403, %get3A_404] {strides = array<i32>} : memref<2x32x128xf32, #tpu.memory_space<vmem>>, vector<16xf32>,
          %mul3A_406 = arith.mulf %get3A_345, %get3A_377 : vector<16xf32>
          %min3A = arith.constant 1.000000e+30 : f32
          %min3A_407 = vector.broadcast %min3A : f32 to vector<16xf32>
          %min3A_408 = arith.minimumf %mul3A_406, %min3A_407 : vector<16xf32>
          %add3A_409 = arith.constant 1.000000e+00 : f32
          %add3A_410 = vector.broadcast %add3A_409 : f32 to vector<16xf32>
          %add3A_411 = arith.addf %add3A_410, %min3A_408 : vector<16xf32>
          %mul3A_412 = arith.mulf %get3A_349, %get3A_381 : vector<16xf32>
          %min3A_413 = arith.constant 1.000000e+30 : f32
          %min3A_414 = vector.broadcast %min3A_413 : f32 to vector<16xf32>
          %min3A_415 = arith.minimumf %mul3A_412, %min3A_414 : vector<16xf32>
          %add3A_416 = arith.constant 1.000000e+00 : f32
          %add3A_417 = vector.broadcast %add3A_416 : f32 to vector<16xf32>
          %add3A_418 = arith.addf %add3A_417, %min3A_415 : vector<16xf32>
          %mul3A_419 = arith.mulf %get3A_353, %get3A_385 : vector<16xf32>
          %min3A_420 = arith.constant 1.000000e+30 : f32
          %min3A_421 = vector.broadcast %min3A_420 : f32 to vector<16xf32>
          %min3A_422 = arith.minimumf %mul3A_419, %min3A_421 : vector<16xf32>
          %add3A_423 = arith.constant 1.000000e+00 : f32
          %add3A_424 = vector.broadcast %add3A_423 : f32 to vector<16xf32>
          %add3A_425 = arith.addf %add3A_424, %min3A_422 : vector<16xf32>
          %mul3A_426 = arith.mulf %get3A_357, %get3A_389 : vector<16xf32>
          %min3A_427 = arith.constant 1.000000e+30 : f32
          %min3A_428 = vector.broadcast %min3A_427 : f32 to vector<16xf32>
          %min3A_429 = arith.minimumf %mul3A_426, %min3A_428 : vector<16xf32>
          %add3A_430 = arith.constant 1.000000e+00 : f32
          %add3A_431 = vector.broadcast %add3A_430 : f32 to vector<16xf32>
          %add3A_432 = arith.addf %add3A_431, %min3A_429 : vector<16xf32>
          %mul3A_433 = arith.mulf %get3A_361, %get3A_393 : vector<16xf32>
          %min3A_434 = arith.constant 1.000000e+30 : f32
          %min3A_435 = vector.broadcast %min3A_434 : f32 to vector<16xf32>
          %min3A_436 = arith.minimumf %mul3A_433, %min3A_435 : vector<16xf32>
          %add3A_437 = arith.constant 1.000000e+00 : f32
          %add3A_438 = vector.broadcast %add3A_437 : f32 to vector<16xf32>
          %add3A_439 = arith.addf %add3A_438, %min3A_436 : vector<16xf32>
          %mul3A_440 = arith.mulf %get3A_365, %get3A_397 : vector<16xf32>
          %min3A_441 = arith.constant 1.000000e+30 : f32
          %min3A_442 = vector.broadcast %min3A_441 : f32 to vector<16xf32>
          %min3A_443 = arith.minimumf %mul3A_440, %min3A_442 : vector<16xf32>
          %add3A_444 = arith.constant 1.000000e+00 : f32
          %add3A_445 = vector.broadcast %add3A_444 : f32 to vector<16xf32>
          %add3A_446 = arith.addf %add3A_445, %min3A_443 : vector<16xf32>
          %mul3A_447 = arith.mulf %get3A_369, %get3A_401 : vector<16xf32>
          %min3A_448 = arith.constant 1.000000e+30 : f32
          %min3A_449 = vector.broadcast %min3A_448 : f32 to vector<16xf32>
          %min3A_450 = arith.minimumf %mul3A_447, %min3A_449 : vector<16xf32>
          %add3A_451 = arith.constant 1.000000e+00 : f32
          %add3A_452 = vector.broadcast %add3A_451 : f32 to vector<16xf32>
          %add3A_453 = arith.addf %add3A_452, %min3A_450 : vector<16xf32>
          %mul3A_454 = arith.mulf %get3A_373, %get3A_405 : vector<16xf32>
          %min3A_455 = arith.constant 1.000000e+30 : f32
          %min3A_456 = vector.broadcast %min3A_455 : f32 to vector<16xf32>
          %min3A_457 = arith.minimumf %mul3A_454, %min3A_456 : vector<16xf32>
          %add3A_458 = arith.constant 1.000000e+00 : f32
          %add3A_459 = vector.broadcast %add3A_458 : f32 to vector<16xf32>
          %add3A_460 = arith.addf %add3A_459, %min3A_457 : vector<16xf32>
          %bitcast3A = vector.bitcast %add3A_411 : vector<16xf32> to vector<16xi32>
          %sub3A_461 = arith.subi %broadcast_in_dim3A_141, %bitcast3A : vector<16xi32>
          %bitcast3A_462 = vector.bitcast %sub3A_461 : vector<16xi32> to vector<16xf32>
          %bitcast3A_463 = vector.bitcast %add3A_418 : vector<16xf32> to vector<16xi32>
          %sub3A_464 = arith.subi %broadcast_in_dim3A_141, %bitcast3A_463 : vector<16xi32>
          %bitcast3A_465 = vector.bitcast %sub3A_464 : vector<16xi32> to vector<16xf32>
          %bitcast3A_466 = vector.bitcast %add3A_425 : vector<16xf32> to vector<16xi32>
          %sub3A_467 = arith.subi %broadcast_in_dim3A_141, %bitcast3A_466 : vector<16xi32>
          %bitcast3A_468 = vector.bitcast %sub3A_467 : vector<16xi32> to vector<16xf32>
          %bitcast3A_469 = vector.bitcast %add3A_432 : vector<16xf32> to vector<16xi32>
          %sub3A_470 = arith.subi %broadcast_in_dim3A_141, %bitcast3A_469 : vector<16xi32>
          %bitcast3A_471 = vector.bitcast %sub3A_470 : vector<16xi32> to vector<16xf32>
          %bitcast3A_472 = vector.bitcast %add3A_439 : vector<16xf32> to vector<16xi32>
          %sub3A_473 = arith.subi %broadcast_in_dim3A_141, %bitcast3A_472 : vector<16xi32>
          %bitcast3A_474 = vector.bitcast %sub3A_473 : vector<16xi32> to vector<16xf32>
          %bitcast3A_475 = vector.bitcast %add3A_446 : vector<16xf32> to vector<16xi32>
          %sub3A_476 = arith.subi %broadcast_in_dim3A_141, %bitcast3A_475 : vector<16xi32>
          %bitcast3A_477 = vector.bitcast %sub3A_476 : vector<16xi32> to vector<16xf32>
          %bitcast3A_478 = vector.bitcast %add3A_453 : vector<16xf32> to vector<16xi32>
          %sub3A_479 = arith.subi %broadcast_in_dim3A_141, %bitcast3A_478 : vector<16xi32>
          %bitcast3A_480 = vector.bitcast %sub3A_479 : vector<16xi32> to vector<16xf32>
          %bitcast3A_481 = vector.bitcast %add3A_460 : vector<16xf32> to vector<16xi32>
          %sub3A_482 = arith.subi %broadcast_in_dim3A_141, %bitcast3A_481 : vector<16xi32>
          %bitcast3A_483 = vector.bitcast %sub3A_482 : vector<16xi32> to vector<16xf32>
          %mul3A_484 = arith.mulf %add3A_411, %bitcast3A_462 : vector<16xf32>
          %mul3A_485 = arith.mulf %add3A_418, %bitcast3A_465 : vector<16xf32>
          %mul3A_486 = arith.mulf %add3A_425, %bitcast3A_468 : vector<16xf32>
          %mul3A_487 = arith.mulf %add3A_432, %bitcast3A_471 : vector<16xf32>
          %mul3A_488 = arith.mulf %add3A_439, %bitcast3A_474 : vector<16xf32>
          %mul3A_489 = arith.mulf %add3A_446, %bitcast3A_477 : vector<16xf32>
          %mul3A_490 = arith.mulf %add3A_453, %bitcast3A_480 : vector<16xf32>
          %mul3A_491 = arith.mulf %add3A_460, %bitcast3A_483 : vector<16xf32>
          %sub3A_492 = arith.constant 2.000000e+00 : f32
          %sub3A_493 = vector.broadcast %sub3A_492 : f32 to vector<16xf32>
          %sub3A_494 = arith.subf %sub3A_493, %mul3A_484 : vector<16xf32>
          %sub3A_495 = arith.constant 2.000000e+00 : f32
          %sub3A_496 = vector.broadcast %sub3A_495 : f32 to vector<16xf32>
          %sub3A_497 = arith.subf %sub3A_496, %mul3A_485 : vector<16xf32>
          %sub3A_498 = arith.constant 2.000000e+00 : f32
          %sub3A_499 = vector.broadcast %sub3A_498 : f32 to vector<16xf32>
          %sub3A_500 = arith.subf %sub3A_499, %mul3A_486 : vector<16xf32>
          %sub3A_501 = arith.constant 2.000000e+00 : f32
          %sub3A_502 = vector.broadcast %sub3A_501 : f32 to vector<16xf32>
          %sub3A_503 = arith.subf %sub3A_502, %mul3A_487 : vector<16xf32>
          %sub3A_504 = arith.constant 2.000000e+00 : f32
          %sub3A_505 = vector.broadcast %sub3A_504 : f32 to vector<16xf32>
          %sub3A_506 = arith.subf %sub3A_505, %mul3A_488 : vector<16xf32>
          %sub3A_507 = arith.constant 2.000000e+00 : f32
          %sub3A_508 = vector.broadcast %sub3A_507 : f32 to vector<16xf32>
          %sub3A_509 = arith.subf %sub3A_508, %mul3A_489 : vector<16xf32>
          %sub3A_510 = arith.constant 2.000000e+00 : f32
          %sub3A_511 = vector.broadcast %sub3A_510 : f32 to vector<16xf32>
          %sub3A_512 = arith.subf %sub3A_511, %mul3A_490 : vector<16xf32>
          %sub3A_513 = arith.constant 2.000000e+00 : f32
          %sub3A_514 = vector.broadcast %sub3A_513 : f32 to vector<16xf32>
          %sub3A_515 = arith.subf %sub3A_514, %mul3A_491 : vector<16xf32>
          %mul3A_516 = arith.mulf %bitcast3A_462, %sub3A_494 : vector<16xf32>
          %mul3A_517 = arith.mulf %bitcast3A_465, %sub3A_497 : vector<16xf32>
          %mul3A_518 = arith.mulf %bitcast3A_468, %sub3A_500 : vector<16xf32>
          %mul3A_519 = arith.mulf %bitcast3A_471, %sub3A_503 : vector<16xf32>
          %mul3A_520 = arith.mulf %bitcast3A_474, %sub3A_506 : vector<16xf32>
          %mul3A_521 = arith.mulf %bitcast3A_477, %sub3A_509 : vector<16xf32>
          %mul3A_522 = arith.mulf %bitcast3A_480, %sub3A_512 : vector<16xf32>
          %mul3A_523 = arith.mulf %bitcast3A_483, %sub3A_515 : vector<16xf32>
          %mul3A_524 = arith.mulf %add3A_411, %mul3A_516 : vector<16xf32>
          %mul3A_525 = arith.mulf %add3A_418, %mul3A_517 : vector<16xf32>
          %mul3A_526 = arith.mulf %add3A_425, %mul3A_518 : vector<16xf32>
          %mul3A_527 = arith.mulf %add3A_432, %mul3A_519 : vector<16xf32>
          %mul3A_528 = arith.mulf %add3A_439, %mul3A_520 : vector<16xf32>
          %mul3A_529 = arith.mulf %add3A_446, %mul3A_521 : vector<16xf32>
          %mul3A_530 = arith.mulf %add3A_453, %mul3A_522 : vector<16xf32>
          %mul3A_531 = arith.mulf %add3A_460, %mul3A_523 : vector<16xf32>
          %sub3A_532 = arith.constant 2.000000e+00 : f32
          %sub3A_533 = vector.broadcast %sub3A_532 : f32 to vector<16xf32>
          %sub3A_534 = arith.subf %sub3A_533, %mul3A_524 : vector<16xf32>
          %sub3A_535 = arith.constant 2.000000e+00 : f32
          %sub3A_536 = vector.broadcast %sub3A_535 : f32 to vector<16xf32>
          %sub3A_537 = arith.subf %sub3A_536, %mul3A_525 : vector<16xf32>
          %sub3A_538 = arith.constant 2.000000e+00 : f32
          %sub3A_539 = vector.broadcast %sub3A_538 : f32 to vector<16xf32>
          %sub3A_540 = arith.subf %sub3A_539, %mul3A_526 : vector<16xf32>
          %sub3A_541 = arith.constant 2.000000e+00 : f32
          %sub3A_542 = vector.broadcast %sub3A_541 : f32 to vector<16xf32>
          %sub3A_543 = arith.subf %sub3A_542, %mul3A_527 : vector<16xf32>
          %sub3A_544 = arith.constant 2.000000e+00 : f32
          %sub3A_545 = vector.broadcast %sub3A_544 : f32 to vector<16xf32>
          %sub3A_546 = arith.subf %sub3A_545, %mul3A_528 : vector<16xf32>
          %sub3A_547 = arith.constant 2.000000e+00 : f32
          %sub3A_548 = vector.broadcast %sub3A_547 : f32 to vector<16xf32>
          %sub3A_549 = arith.subf %sub3A_548, %mul3A_529 : vector<16xf32>
          %sub3A_550 = arith.constant 2.000000e+00 : f32
          %sub3A_551 = vector.broadcast %sub3A_550 : f32 to vector<16xf32>
          %sub3A_552 = arith.subf %sub3A_551, %mul3A_530 : vector<16xf32>
          %sub3A_553 = arith.constant 2.000000e+00 : f32
          %sub3A_554 = vector.broadcast %sub3A_553 : f32 to vector<16xf32>
          %sub3A_555 = arith.subf %sub3A_554, %mul3A_531 : vector<16xf32>
          %mul3A_556 = arith.mulf %mul3A_516, %sub3A_534 : vector<16xf32>
          %mul3A_557 = arith.mulf %mul3A_517, %sub3A_537 : vector<16xf32>
          %mul3A_558 = arith.mulf %mul3A_518, %sub3A_540 : vector<16xf32>
          %mul3A_559 = arith.mulf %mul3A_519, %sub3A_543 : vector<16xf32>
          %mul3A_560 = arith.mulf %mul3A_520, %sub3A_546 : vector<16xf32>
          %mul3A_561 = arith.mulf %mul3A_521, %sub3A_549 : vector<16xf32>
          %mul3A_562 = arith.mulf %mul3A_522, %sub3A_552 : vector<16xf32>
          %mul3A_563 = arith.mulf %mul3A_523, %sub3A_555 : vector<16xf32>
          %get3A_564 = arith.index_cast %sub3A_224 : i32 to index
          %get3A_565 = arith.index_cast %scan3A_340 : i32 to index
          %get3A_566 = arith.constant 0 : index
          %get3A_567 = tpu.vector_load %arg13[%get3A_564, %get3A_565, %get3A_566] {strides = array<i32>} : memref<2x32x128xf32, #tpu.memory_space<vmem>>, vector<16xf32>,
          %get3A_568 = arith.index_cast %sub3A_224 : i32 to index
          %get3A_569 = arith.index_cast %scan3A_340 : i32 to index
          %get3A_570 = arith.constant 16 : index
          %get3A_571 = tpu.vector_load %arg13[%get3A_568, %get3A_569, %get3A_570] {strides = array<i32>} : memref<2x32x128xf32, #tpu.memory_space<vmem>>, vector<16xf32>,
          %get3A_572 = arith.index_cast %sub3A_224 : i32 to index
          %get3A_573 = arith.index_cast %scan3A_340 : i32 to index
          %get3A_574 = arith.constant 32 : index
          %get3A_575 = tpu.vector_load %arg13[%get3A_572, %get3A_573, %get3A_574] {strides = array<i32>} : memref<2x32x128xf32, #tpu.memory_space<vmem>>, vector<16xf32>,
          %get3A_576 = arith.index_cast %sub3A_224 : i32 to index
          %get3A_577 = arith.index_cast %scan3A_340 : i32 to index
          %get3A_578 = arith.constant 48 : index
          %get3A_579 = tpu.vector_load %arg13[%get3A_576, %get3A_577, %get3A_578] {strides = array<i32>} : memref<2x32x128xf32, #tpu.memory_space<vmem>>, vector<16xf32>,
          %get3A_580 = arith.index_cast %sub3A_224 : i32 to index
          %get3A_581 = arith.index_cast %scan3A_340 : i32 to index
          %get3A_582 = arith.constant 64 : index
          %get3A_583 = tpu.vector_load %arg13[%get3A_580, %get3A_581, %get3A_582] {strides = array<i32>} : memref<2x32x128xf32, #tpu.memory_space<vmem>>, vector<16xf32>,
          %get3A_584 = arith.index_cast %sub3A_224 : i32 to index
          %get3A_585 = arith.index_cast %scan3A_340 : i32 to index
          %get3A_586 = arith.constant 80 : index
          %get3A_587 = tpu.vector_load %arg13[%get3A_584, %get3A_585, %get3A_586] {strides = array<i32>} : memref<2x32x128xf32, #tpu.memory_space<vmem>>, vector<16xf32>,
          %get3A_588 = arith.index_cast %sub3A_224 : i32 to index
          %get3A_589 = arith.index_cast %scan3A_340 : i32 to index
          %get3A_590 = arith.constant 96 : index
          %get3A_591 = tpu.vector_load %arg13[%get3A_588, %get3A_589, %get3A_590] {strides = array<i32>} : memref<2x32x128xf32, #tpu.memory_space<vmem>>, vector<16xf32>,
          %get3A_592 = arith.index_cast %sub3A_224 : i32 to index
          %get3A_593 = arith.index_cast %scan3A_340 : i32 to index
          %get3A_594 = arith.constant 112 : index
          %get3A_595 = tpu.vector_load %arg13[%get3A_592, %get3A_593, %get3A_594] {strides = array<i32>} : memref<2x32x128xf32, #tpu.memory_space<vmem>>, vector<16xf32>,
          %mul3A_596 = arith.mulf %mul3A_556, %get3A_567 : vector<16xf32>
          %mul3A_597 = arith.mulf %mul3A_557, %get3A_571 : vector<16xf32>
          %mul3A_598 = arith.mulf %mul3A_558, %get3A_575 : vector<16xf32>
          %mul3A_599 = arith.mulf %mul3A_559, %get3A_579 : vector<16xf32>
          %mul3A_600 = arith.mulf %mul3A_560, %get3A_583 : vector<16xf32>
          %mul3A_601 = arith.mulf %mul3A_561, %get3A_587 : vector<16xf32>
          %mul3A_602 = arith.mulf %mul3A_562, %get3A_591 : vector<16xf32>
          %mul3A_603 = arith.mulf %mul3A_563, %get3A_595 : vector<16xf32>
          %swap3A_604 = arith.index_cast %sub3A_224 : i32 to index
          %swap3A_605 = arith.index_cast %scan3A_340 : i32 to index
          %swap3A_606 = arith.constant 0 : index
          %swap3A_607 = tpu.vector_load %arg14[%swap3A_604, %swap3A_605, %swap3A_606] {strides = array<i32>} : memref<2x32x128xf32, #tpu.memory_space<vmem>>, vector<16xf32>,
          tpu.vector_store %arg14[%swap3A_604, %swap3A_605, %swap3A_606], %mul3A_596 {strides = array<i32>} : memref<2x32x128xf32, #tpu.memory_space<vmem>>, vector<16xf32>,
          %swap3A_608 = arith.index_cast %sub3A_224 : i32 to index
          %swap3A_609 = arith.index_cast %scan3A_340 : i32 to index
          %swap3A_610 = arith.constant 16 : index
          %swap3A_611 = tpu.vector_load %arg14[%swap3A_608, %swap3A_609, %swap3A_610] {strides = array<i32>} : memref<2x32x128xf32, #tpu.memory_space<vmem>>, vector<16xf32>,
          tpu.vector_store %arg14[%swap3A_608, %swap3A_609, %swap3A_610], %mul3A_597 {strides = array<i32>} : memref<2x32x128xf32, #tpu.memory_space<vmem>>, vector<16xf32>,
          %swap3A_612 = arith.index_cast %sub3A_224 : i32 to index
          %swap3A_613 = arith.index_cast %scan3A_340 : i32 to index
          %swap3A_614 = arith.constant 32 : index
          %swap3A_615 = tpu.vector_load %arg14[%swap3A_612, %swap3A_613, %swap3A_614] {strides = array<i32>} : memref<2x32x128xf32, #tpu.memory_space<vmem>>, vector<16xf32>,
          tpu.vector_store %arg14[%swap3A_612, %swap3A_613, %swap3A_614], %mul3A_598 {strides = array<i32>} : memref<2x32x128xf32, #tpu.memory_space<vmem>>, vector<16xf32>,
          %swap3A_616 = arith.index_cast %sub3A_224 : i32 to index
          %swap3A_617 = arith.index_cast %scan3A_340 : i32 to index
          %swap3A_618 = arith.constant 48 : index
          %swap3A_619 = tpu.vector_load %arg14[%swap3A_616, %swap3A_617, %swap3A_618] {strides = array<i32>} : memref<2x32x128xf32, #tpu.memory_space<vmem>>, vector<16xf32>,
          tpu.vector_store %arg14[%swap3A_616, %swap3A_617, %swap3A_618], %mul3A_599 {strides = array<i32>} : memref<2x32x128xf32, #tpu.memory_space<vmem>>, vector<16xf32>,
          %swap3A_620 = arith.index_cast %sub3A_224 : i32 to index
          %swap3A_621 = arith.index_cast %scan3A_340 : i32 to index
          %swap3A_622 = arith.constant 64 : index
          %swap3A_623 = tpu.vector_load %arg14[%swap3A_620, %swap3A_621, %swap3A_622] {strides = array<i32>} : memref<2x32x128xf32, #tpu.memory_space<vmem>>, vector<16xf32>,
          tpu.vector_store %arg14[%swap3A_620, %swap3A_621, %swap3A_622], %mul3A_600 {strides = array<i32>} : memref<2x32x128xf32, #tpu.memory_space<vmem>>, vector<16xf32>,
          %swap3A_624 = arith.index_cast %sub3A_224 : i32 to index
          %swap3A_625 = arith.index_cast %scan3A_340 : i32 to index
          %swap3A_626 = arith.constant 80 : index
          %swap3A_627 = tpu.vector_load %arg14[%swap3A_624, %swap3A_625, %swap3A_626] {strides = array<i32>} : memref<2x32x128xf32, #tpu.memory_space<vmem>>, vector<16xf32>,
          tpu.vector_store %arg14[%swap3A_624, %swap3A_625, %swap3A_626], %mul3A_601 {strides = array<i32>} : memref<2x32x128xf32, #tpu.memory_space<vmem>>, vector<16xf32>,
          %swap3A_628 = arith.index_cast %sub3A_224 : i32 to index
          %swap3A_629 = arith.index_cast %scan3A_340 : i32 to index
          %swap3A_630 = arith.constant 96 : index
          %swap3A_631 = tpu.vector_load %arg14[%swap3A_628, %swap3A_629, %swap3A_630] {strides = array<i32>} : memref<2x32x128xf32, #tpu.memory_space<vmem>>, vector<16xf32>,
          tpu.vector_store %arg14[%swap3A_628, %swap3A_629, %swap3A_630], %mul3A_602 {strides = array<i32>} : memref<2x32x128xf32, #tpu.memory_space<vmem>>, vector<16xf32>,
          %swap3A_632 = arith.index_cast %sub3A_224 : i32 to index
          %swap3A_633 = arith.index_cast %scan3A_340 : i32 to index
          %swap3A_634 = arith.constant 112 : index
          %swap3A_635 = tpu.vector_load %arg14[%swap3A_632, %swap3A_633, %swap3A_634] {strides = array<i32>} : memref<2x32x128xf32, #tpu.memory_space<vmem>>, vector<16xf32>,
          tpu.vector_store %arg14[%swap3A_632, %swap3A_633, %swap3A_634], %mul3A_603 {strides = array<i32>} : memref<2x32x128xf32, #tpu.memory_space<vmem>>, vector<16xf32>,
          %scan3A_636 = arith.constant 0 : i32
          scf.yield %scan3A_636 : i32
        }
        %scan3A_327 = arith.constant 32 : i32
        %dma_start3A_328 = arith.constant 0 : i32
        %dma_start3A_329 = arith.constant 0 : i32
        %dma_start3A_330 = tpu.memref_slice %arg14[%sub3A_224, %dma_start3A_328, %dma_start3A_329] : memref<2x32x128xf32, #tpu.memory_space<vmem>> -> memref<1x32x128xf32, #tpu.memory_space<vmem>>
        %dma_start3A_331 = tpu.memref_squeeze %dma_start3A_330 : memref<1x32x128xf32, #tpu.memory_space<vmem>> -> memref<32x128xf32, #tpu.memory_space<vmem>>
        %dma_start3A_332 = arith.constant 0 : i32
        %dma_start3A_333 = tpu.memref_slice %arg10[%sub3A_224, %dma_start3A_332] : memref<2x32xi32, #tpu.memory_space<vmem>> -> memref<1x32xi32, #tpu.memory_space<vmem>>
        %dma_start3A_334 = tpu.memref_squeeze %dma_start3A_333 : memref<1x32xi32, #tpu.memory_space<vmem>> -> memref<32xi32, #tpu.memory_space<vmem>>
        %dma_start3A_335 = arith.constant 0 : i32
        %dma_start3A_336 = arith.constant 0 : i32
        %dma_start3A_337 = tpu.memref_slice %arg15[%dma_start3A_335, %dma_start3A_336] : memref<10240x128xf32, #tpu.memory_space<vmem_shared>> -> memref<10240x128xf32, #tpu.memory_space<vmem_shared>>
        %dma_start3A_338 = tpu.memref_slice %arg18[%sub3A_224] : memref<2x!tpu.dma_semaphore, #tpu.memory_space<semaphore_mem>> -> memref<1x!tpu.dma_semaphore, #tpu.memory_space<semaphore_mem>>
        %dma_start3A_339 = tpu.memref_squeeze %dma_start3A_338 : memref<1x!tpu.dma_semaphore, #tpu.memory_space<semaphore_mem>> -> memref<!tpu.dma_semaphore, #tpu.memory_space<semaphore_mem>>
        tpu.enqueue_indirect_dma source(%dma_start3A_331 : memref<32x128xf32, #tpu.memory_space<vmem>>) target(%dma_start3A_337 : memref<10240x128xf32, #tpu.memory_space<vmem_shared>>) offsets(%dma_start3A_334 : memref<32xi32, #tpu.memory_space<vmem>>) semaphore(%dma_start3A_339 : memref<!tpu.dma_semaphore, #tpu.memory_space<semaphore_mem>>) {add = true}
      } else {
      }
      %scan3A_220 = arith.constant 0 : i32
      scf.yield %scan3A_220 : i32
    }
    %scan3A_148 = arith.constant 321 : i32
    %dma_wait3A = arith.constant 0 : i32
    %dma_wait3A_149 = arith.constant 0 : i32
    %dma_wait3A_150 = arith.constant 0 : i32
    %dma_wait3A_151 = arith.constant 0 : i32
    %dma_wait3A_152 = arith.constant 0 : i32
    %dma_wait3A_153 = tpu.memref_slice %arg14[%dma_wait3A, %dma_wait3A_151, %dma_wait3A_152] : memref<2x32x128xf32, #tpu.memory_space<vmem>> -> memref<1x32x128xf32, #tpu.memory_space<vmem>>
    %dma_wait3A_154 = tpu.memref_squeeze %dma_wait3A_153 : memref<1x32x128xf32, #tpu.memory_space<vmem>> -> memref<32x128xf32, #tpu.memory_space<vmem>>
    %dma_wait3A_155 = arith.constant 0 : i32
    %dma_wait3A_156 = tpu.memref_slice %arg10[%dma_wait3A_149, %dma_wait3A_155] : memref<2x32xi32, #tpu.memory_space<vmem>> -> memref<1x32xi32, #tpu.memory_space<vmem>>
    %dma_wait3A_157 = tpu.memref_squeeze %dma_wait3A_156 : memref<1x32xi32, #tpu.memory_space<vmem>> -> memref<32xi32, #tpu.memory_space<vmem>>
    %dma_wait3A_158 = arith.constant 0 : i32
    %dma_wait3A_159 = arith.constant 0 : i32
    %dma_wait3A_160 = tpu.memref_slice %arg15[%dma_wait3A_158, %dma_wait3A_159] : memref<10240x128xf32, #tpu.memory_space<vmem_shared>> -> memref<10240x128xf32, #tpu.memory_space<vmem_shared>>
    %dma_wait3A_161 = tpu.memref_slice %arg18[%dma_wait3A_150] : memref<2x!tpu.dma_semaphore, #tpu.memory_space<semaphore_mem>> -> memref<1x!tpu.dma_semaphore, #tpu.memory_space<semaphore_mem>>
    %dma_wait3A_162 = tpu.memref_squeeze %dma_wait3A_161 : memref<1x!tpu.dma_semaphore, #tpu.memory_space<semaphore_mem>> -> memref<!tpu.dma_semaphore, #tpu.memory_space<semaphore_mem>>
    tpu.wait_indirect_dma semaphore(%dma_wait3A_162 : memref<!tpu.dma_semaphore, #tpu.memory_space<semaphore_mem>>) src(%dma_wait3A_154 : memref<32x128xf32, #tpu.memory_space<vmem>>) dst(%dma_wait3A_160 : memref<10240x128xf32, #tpu.memory_space<vmem_shared>>)
    %dma_wait3A_163 = arith.constant 1 : i32
    %dma_wait3A_164 = arith.constant 1 : i32
    %dma_wait3A_165 = arith.constant 1 : i32
    %dma_wait3A_166 = arith.constant 0 : i32
    %dma_wait3A_167 = arith.constant 0 : i32
    %dma_wait3A_168 = tpu.memref_slice %arg14[%dma_wait3A_163, %dma_wait3A_166, %dma_wait3A_167] : memref<2x32x128xf32, #tpu.memory_space<vmem>> -> memref<1x32x128xf32, #tpu.memory_space<vmem>>
    %dma_wait3A_169 = tpu.memref_squeeze %dma_wait3A_168 : memref<1x32x128xf32, #tpu.memory_space<vmem>> -> memref<32x128xf32, #tpu.memory_space<vmem>>
    %dma_wait3A_170 = arith.constant 0 : i32
    %dma_wait3A_171 = tpu.memref_slice %arg10[%dma_wait3A_164, %dma_wait3A_170] : memref<2x32xi32, #tpu.memory_space<vmem>> -> memref<1x32xi32, #tpu.memory_space<vmem>>
    %dma_wait3A_172 = tpu.memref_squeeze %dma_wait3A_171 : memref<1x32xi32, #tpu.memory_space<vmem>> -> memref<32xi32, #tpu.memory_space<vmem>>
    %dma_wait3A_173 = arith.constant 0 : i32
    %dma_wait3A_174 = arith.constant 0 : i32
    %dma_wait3A_175 = tpu.memref_slice %arg15[%dma_wait3A_173, %dma_wait3A_174] : memref<10240x128xf32, #tpu.memory_space<vmem_shared>> -> memref<10240x128xf32, #tpu.memory_space<vmem_shared>>
    %dma_wait3A_176 = tpu.memref_slice %arg18[%dma_wait3A_165] : memref<2x!tpu.dma_semaphore, #tpu.memory_space<semaphore_mem>> -> memref<1x!tpu.dma_semaphore, #tpu.memory_space<semaphore_mem>>
    %dma_wait3A_177 = tpu.memref_squeeze %dma_wait3A_176 : memref<1x!tpu.dma_semaphore, #tpu.memory_space<semaphore_mem>> -> memref<!tpu.dma_semaphore, #tpu.memory_space<semaphore_mem>>
    tpu.wait_indirect_dma semaphore(%dma_wait3A_177 : memref<!tpu.dma_semaphore, #tpu.memory_space<semaphore_mem>>) src(%dma_wait3A_169 : memref<32x128xf32, #tpu.memory_space<vmem>>) dst(%dma_wait3A_175 : memref<10240x128xf32, #tpu.memory_space<vmem_shared>>)
    %barrier3A_178 = arith.constant 0 : index
    tpu.barrier barrier_id(%barrier3A_178)
    %mul3A_179 = arith.constant 640 : i32
    %mul3A_180 = arith.muli %arg1, %mul3A_179 : i32
    %mul3A_181 = arith.constant 640 : i32
    %mul3A_182 = arith.muli %arg1, %mul3A_181 : i32
    "tpu.region"() ({
      %run_scoped3A_183 = tpu.sem_alloc : memref<!tpu.dma_semaphore, #tpu.memory_space<semaphore_mem>>
      %dma_start3A_184 = arith.constant 0 : i32
      %dma_start3A_185 = tpu.memref_slice %arg7[%arg0, %mul3A_182, %dma_start3A_184] : memref<2x10240x128xf32, #tpu.memory_space<hbm>> -> memref<1x640x128xf32, #tpu.memory_space<hbm>>
      %dma_start3A_186 = tpu.memref_squeeze %dma_start3A_185 : memref<1x640x128xf32, #tpu.memory_space<hbm>> -> memref<640x128xf32, #tpu.memory_space<hbm>>
      %dma_start3A_187 = arith.constant 0 : i32
      %dma_start3A_188 = tpu.memref_slice %arg15[%mul3A_180, %dma_start3A_187] : memref<10240x128xf32, #tpu.memory_space<vmem_shared>> -> memref<640x128xf32, #tpu.memory_space<vmem_shared>>
      tpu.enqueue_dma source(%dma_start3A_188 : memref<640x128xf32, #tpu.memory_space<vmem_shared>>) target(%dma_start3A_186 : memref<640x128xf32, #tpu.memory_space<hbm>>) target_semaphore(%run_scoped3A_183 : memref<!tpu.dma_semaphore, #tpu.memory_space<semaphore_mem>>)
      %dma_wait3A_189 = arith.constant 0 : i32
      %dma_wait3A_190 = tpu.memref_slice %arg7[%arg0, %mul3A_182, %dma_wait3A_189] : memref<2x10240x128xf32, #tpu.memory_space<hbm>> -> memref<1x640x128xf32, #tpu.memory_space<hbm>>
      %dma_wait3A_191 = tpu.memref_squeeze %dma_wait3A_190 : memref<1x640x128xf32, #tpu.memory_space<hbm>> -> memref<640x128xf32, #tpu.memory_space<hbm>>
      %dma_wait3A_192 = arith.constant 0 : i32
      %dma_wait3A_193 = tpu.memref_slice %arg15[%mul3A_180, %dma_wait3A_192] : memref<10240x128xf32, #tpu.memory_space<vmem_shared>> -> memref<640x128xf32, #tpu.memory_space<vmem_shared>>
      tpu.wait_dma2 semaphore(%run_scoped3A_183 : memref<!tpu.dma_semaphore, #tpu.memory_space<semaphore_mem>>) src(%dma_wait3A_193 : memref<640x128xf32, #tpu.memory_space<vmem_shared>>) dst(%dma_wait3A_191 : memref<640x128xf32, #tpu.memory_space<hbm>>)
      tpu.yield
    }) : () -> ()
    return
  }
}

module attributes {stable_mosaic.version = 14 : i64} {
  func.func @_tc_proj_kernel(%arg0: i32, %arg1: memref<1024x128xf32, #tpu.memory_space<vmem>>, %arg2: memref<4x128x128xf32, #tpu.memory_space<vmem>>, %arg3: memref<4x128xf32, #tpu.memory_space<vmem>>, %arg4: memref<1024x128xf32, #tpu.memory_space<vmem>>, %arg5: memref<1024x128xf32, #tpu.memory_space<vmem>>, %arg6: memref<1024x128xf32, #tpu.memory_space<vmem>>, %arg7: memref<1024x128xf32, #tpu.memory_space<vmem>>) attributes {dimension_semantics = [#tpu.dimension_semantics<arbitrary>], iteration_bounds = array<i64: 10>, scalar_prefetch = 0 : i64, scratch_operands = 0 : i64, tpu.core_type = #tpu.core_type<tc>, window_params = [{transform_indices = @transform_0, window_bounds = array<i64: 1024, 128>}, {pipeline_mode = #tpu.pipeline_mode<synchronous>, transform_indices = @transform_1, window_bounds = array<i64: 4, 128, 128>}, {pipeline_mode = #tpu.pipeline_mode<synchronous>, transform_indices = @transform_2, window_bounds = array<i64: 4, 128>}, {transform_indices = @transform_3, window_bounds = array<i64: 1024, 128>}, {transform_indices = @transform_4, window_bounds = array<i64: 1024, 128>}, {transform_indices = @transform_5, window_bounds = array<i64: 1024, 128>}, {transform_indices = @transform_6, window_bounds = array<i64: 1024, 128>}]} {
    %get3A = arith.constant 0 : index
    %get3A_0 = arith.constant 0 : index
    %get3A_1 = vector.load %arg1[%get3A, %get3A_0] : memref<1024x128xf32, #tpu.memory_space<vmem>>, vector<1024x128xf32>
    %get3A_2 = arith.constant 0 : index
    %get3A_3 = arith.constant 0 : index
    %get3A_4 = arith.constant 0 : index
    %get3A_5 = vector.load %arg2[%get3A_2, %get3A_3, %get3A_4] : memref<4x128x128xf32, #tpu.memory_space<vmem>>, vector<1x128x128xf32>
    %get3A_6 = vector.shape_cast %get3A_5 : vector<1x128x128xf32> to vector<128x128xf32>
    %dot_general3A = arith.constant dense<0.000000e+00> : vector<1024x128xf32>
    %dot_general3A_7 = tpu.matmul %get3A_1, %get3A_6, %dot_general3A {dimension_numbers = #tpu.dot_dimension_numbers<[1], [0], [0], [1], [0, 0, 1, 1], [], []>, transpose_lhs_hint = false} : vector<1024x128xf32>, vector<128x128xf32>, vector<1024x128xf32> -> vector<1024x128xf32>
    %get3A_8 = arith.constant 0 : index
    %get3A_9 = arith.constant 0 : index
    %get3A_10 = vector.load %arg3[%get3A_8, %get3A_9] : memref<4x128xf32, #tpu.memory_space<vmem>>, vector<1x128xf32>
    %get3A_11 = vector.shape_cast %get3A_10 : vector<1x128xf32> to vector<128xf32>
    %broadcast_in_dim3A = vector.shape_cast %get3A_11 : vector<128xf32> to vector<1x128xf32>
    %add3A = vector.broadcast %broadcast_in_dim3A : vector<1x128xf32> to vector<1024x128xf32>
    %add3A_12 = arith.addf %dot_general3A_7, %add3A : vector<1024x128xf32>
    %jit3A = arith.constant -7.000000e+01 : f32
    %jit3A_13 = arith.constant 7.000000e+01 : f32
    %max3A = vector.broadcast %jit3A : f32 to vector<1024x128xf32>
    %max3A_14 = arith.maximumf %max3A, %add3A_12 : vector<1024x128xf32>
    %min3A = vector.broadcast %jit3A_13 : f32 to vector<1024x128xf32>
    %min3A_15 = arith.minimumf %min3A, %max3A_14 : vector<1024x128xf32>
    %neg3A = arith.constant 0.000000e+00 : f32
    %neg3A_16 = vector.broadcast %neg3A : f32 to vector<1024x128xf32>
    %neg3A_17 = arith.subf %neg3A_16, %min3A_15 : vector<1024x128xf32>
    %exp3A = math.exp %neg3A_17 : vector<1024x128xf32>
    %swap3A = arith.constant 0 : index
    %swap3A_18 = arith.constant 0 : index
    %swap3A_19 = vector.load %arg4[%swap3A, %swap3A_18] : memref<1024x128xf32, #tpu.memory_space<vmem>>, vector<1024x128xf32>
    tpu.vector_store %arg4[%swap3A, %swap3A_18], %exp3A {strides = array<i32>} : memref<1024x128xf32, #tpu.memory_space<vmem>>, vector<1024x128xf32>,
    %get3A_20 = arith.constant 1 : index
    %get3A_21 = arith.constant 0 : index
    %get3A_22 = arith.constant 0 : index
    %get3A_23 = vector.load %arg2[%get3A_20, %get3A_21, %get3A_22] : memref<4x128x128xf32, #tpu.memory_space<vmem>>, vector<1x128x128xf32>
    %get3A_24 = vector.shape_cast %get3A_23 : vector<1x128x128xf32> to vector<128x128xf32>
    %dot_general3A_25 = arith.constant dense<0.000000e+00> : vector<1024x128xf32>
    %dot_general3A_26 = tpu.matmul %get3A_1, %get3A_24, %dot_general3A_25 {dimension_numbers = #tpu.dot_dimension_numbers<[1], [0], [0], [1], [0, 0, 1, 1], [], []>, transpose_lhs_hint = false} : vector<1024x128xf32>, vector<128x128xf32>, vector<1024x128xf32> -> vector<1024x128xf32>
    %get3A_27 = arith.constant 1 : index
    %get3A_28 = arith.constant 0 : index
    %get3A_29 = vector.load %arg3[%get3A_27, %get3A_28] : memref<4x128xf32, #tpu.memory_space<vmem>>, vector<1x128xf32>
    %get3A_30 = vector.shape_cast %get3A_29 : vector<1x128xf32> to vector<128xf32>
    %broadcast_in_dim3A_31 = vector.shape_cast %get3A_30 : vector<128xf32> to vector<1x128xf32>
    %add3A_32 = vector.broadcast %broadcast_in_dim3A_31 : vector<1x128xf32> to vector<1024x128xf32>
    %add3A_33 = arith.addf %dot_general3A_26, %add3A_32 : vector<1024x128xf32>
    %jit3A_34 = arith.constant -7.000000e+01 : f32
    %jit3A_35 = arith.constant 7.000000e+01 : f32
    %max3A_36 = vector.broadcast %jit3A_34 : f32 to vector<1024x128xf32>
    %max3A_37 = arith.maximumf %max3A_36, %add3A_33 : vector<1024x128xf32>
    %min3A_38 = vector.broadcast %jit3A_35 : f32 to vector<1024x128xf32>
    %min3A_39 = arith.minimumf %min3A_38, %max3A_37 : vector<1024x128xf32>
    %neg3A_40 = arith.constant 0.000000e+00 : f32
    %neg3A_41 = vector.broadcast %neg3A_40 : f32 to vector<1024x128xf32>
    %neg3A_42 = arith.subf %neg3A_41, %min3A_39 : vector<1024x128xf32>
    %exp3A_43 = math.exp %neg3A_42 : vector<1024x128xf32>
    %swap3A_44 = arith.constant 0 : index
    %swap3A_45 = arith.constant 0 : index
    %swap3A_46 = vector.load %arg5[%swap3A_44, %swap3A_45] : memref<1024x128xf32, #tpu.memory_space<vmem>>, vector<1024x128xf32>
    tpu.vector_store %arg5[%swap3A_44, %swap3A_45], %exp3A_43 {strides = array<i32>} : memref<1024x128xf32, #tpu.memory_space<vmem>>, vector<1024x128xf32>,
    %get3A_47 = arith.constant 2 : index
    %get3A_48 = arith.constant 0 : index
    %get3A_49 = arith.constant 0 : index
    %get3A_50 = vector.load %arg2[%get3A_47, %get3A_48, %get3A_49] : memref<4x128x128xf32, #tpu.memory_space<vmem>>, vector<1x128x128xf32>
    %get3A_51 = vector.shape_cast %get3A_50 : vector<1x128x128xf32> to vector<128x128xf32>
    %dot_general3A_52 = arith.constant dense<0.000000e+00> : vector<1024x128xf32>
    %dot_general3A_53 = tpu.matmul %get3A_1, %get3A_51, %dot_general3A_52 {dimension_numbers = #tpu.dot_dimension_numbers<[1], [0], [0], [1], [0, 0, 1, 1], [], []>, transpose_lhs_hint = false} : vector<1024x128xf32>, vector<128x128xf32>, vector<1024x128xf32> -> vector<1024x128xf32>
    %get3A_54 = arith.constant 2 : index
    %get3A_55 = arith.constant 0 : index
    %get3A_56 = vector.load %arg3[%get3A_54, %get3A_55] : memref<4x128xf32, #tpu.memory_space<vmem>>, vector<1x128xf32>
    %get3A_57 = vector.shape_cast %get3A_56 : vector<1x128xf32> to vector<128xf32>
    %broadcast_in_dim3A_58 = vector.shape_cast %get3A_57 : vector<128xf32> to vector<1x128xf32>
    %add3A_59 = vector.broadcast %broadcast_in_dim3A_58 : vector<1x128xf32> to vector<1024x128xf32>
    %add3A_60 = arith.addf %dot_general3A_53, %add3A_59 : vector<1024x128xf32>
    %swap3A_61 = arith.constant 0 : index
    %swap3A_62 = arith.constant 0 : index
    %swap3A_63 = vector.load %arg6[%swap3A_61, %swap3A_62] : memref<1024x128xf32, #tpu.memory_space<vmem>>, vector<1024x128xf32>
    tpu.vector_store %arg6[%swap3A_61, %swap3A_62], %add3A_60 {strides = array<i32>} : memref<1024x128xf32, #tpu.memory_space<vmem>>, vector<1024x128xf32>,
    %get3A_64 = arith.constant 3 : index
    %get3A_65 = arith.constant 0 : index
    %get3A_66 = arith.constant 0 : index
    %get3A_67 = vector.load %arg2[%get3A_64, %get3A_65, %get3A_66] : memref<4x128x128xf32, #tpu.memory_space<vmem>>, vector<1x128x128xf32>
    %get3A_68 = vector.shape_cast %get3A_67 : vector<1x128x128xf32> to vector<128x128xf32>
    %dot_general3A_69 = arith.constant dense<0.000000e+00> : vector<1024x128xf32>
    %dot_general3A_70 = tpu.matmul %get3A_1, %get3A_68, %dot_general3A_69 {dimension_numbers = #tpu.dot_dimension_numbers<[1], [0], [0], [1], [0, 0, 1, 1], [], []>, transpose_lhs_hint = false} : vector<1024x128xf32>, vector<128x128xf32>, vector<1024x128xf32> -> vector<1024x128xf32>
    %get3A_71 = arith.constant 3 : index
    %get3A_72 = arith.constant 0 : index
    %get3A_73 = vector.load %arg3[%get3A_71, %get3A_72] : memref<4x128xf32, #tpu.memory_space<vmem>>, vector<1x128xf32>
    %get3A_74 = vector.shape_cast %get3A_73 : vector<1x128xf32> to vector<128xf32>
    %broadcast_in_dim3A_75 = vector.shape_cast %get3A_74 : vector<128xf32> to vector<1x128xf32>
    %add3A_76 = vector.broadcast %broadcast_in_dim3A_75 : vector<1x128xf32> to vector<1024x128xf32>
    %add3A_77 = arith.addf %dot_general3A_70, %add3A_76 : vector<1024x128xf32>
    %swap3A_78 = arith.constant 0 : index
    %swap3A_79 = arith.constant 0 : index
    %swap3A_80 = vector.load %arg7[%swap3A_78, %swap3A_79] : memref<1024x128xf32, #tpu.memory_space<vmem>>, vector<1024x128xf32>
    tpu.vector_store %arg7[%swap3A_78, %swap3A_79], %add3A_77 {strides = array<i32>} : memref<1024x128xf32, #tpu.memory_space<vmem>>, vector<1024x128xf32>,
    return
  }
  func.func @transform_0(%arg0: i32) -> (i32, i32) {
    %c0_i32 = arith.constant 0 : i32
    %c0_i32_0 = arith.constant 0 : i32
    return %arg0, %c0_i32 : i32, i32
  }
  func.func @transform_1(%arg0: i32) -> (i32, i32, i32) {
    %c0_i32 = arith.constant 0 : i32
    %c0_i32_0 = arith.constant 0 : i32
    %c0_i32_1 = arith.constant 0 : i32
    %c0_i32_2 = arith.constant 0 : i32
    return %c0_i32, %c0_i32_0, %c0_i32_1 : i32, i32, i32
  }
  func.func @transform_2(%arg0: i32) -> (i32, i32) {
    %c0_i32 = arith.constant 0 : i32
    %c0_i32_0 = arith.constant 0 : i32
    %c0_i32_1 = arith.constant 0 : i32
    return %c0_i32, %c0_i32_0 : i32, i32
  }
  func.func @transform_3(%arg0: i32) -> (i32, i32) {
    %c0_i32 = arith.constant 0 : i32
    %c0_i32_0 = arith.constant 0 : i32
    return %arg0, %c0_i32 : i32, i32
  }
  func.func @transform_4(%arg0: i32) -> (i32, i32) {
    %c0_i32 = arith.constant 0 : i32
    %c0_i32_0 = arith.constant 0 : i32
    return %arg0, %c0_i32 : i32, i32
  }
  func.func @transform_5(%arg0: i32) -> (i32, i32) {
    %c0_i32 = arith.constant 0 : i32
    %c0_i32_0 = arith.constant 0 : i32
    return %arg0, %c0_i32 : i32, i32
  }
  func.func @transform_6(%arg0: i32) -> (i32, i32) {
    %c0_i32 = arith.constant 0 : i32
    %c0_i32_0 = arith.constant 0 : i32
    return %arg0, %c0_i32 : i32, i32
  }
}

module attributes {stable_mosaic.version = 14 : i64} {
  func.func @_tc_combine_kernel(%arg0: i32, %arg1: memref<2x1024x128xf32, #tpu.memory_space<vmem>>, %arg2: memref<1024x128xf32, #tpu.memory_space<vmem>>, %arg3: memref<1024x128xf32, #tpu.memory_space<vmem>>) attributes {dimension_semantics = [#tpu.dimension_semantics<arbitrary>], iteration_bounds = array<i64: 10>, scalar_prefetch = 0 : i64, scratch_operands = 0 : i64, tpu.core_type = #tpu.core_type<tc>, window_params = [{transform_indices = @transform_0, window_bounds = array<i64: 2, 1024, 128>}, {transform_indices = @transform_1, window_bounds = array<i64: 1024, 128>}, {transform_indices = @transform_2, window_bounds = array<i64: 1024, 128>}]} {
    %get3A = arith.constant 0 : index
    %get3A_0 = arith.constant 0 : index
    %get3A_1 = arith.constant 0 : index
    %get3A_2 = vector.load %arg1[%get3A, %get3A_0, %get3A_1] : memref<2x1024x128xf32, #tpu.memory_space<vmem>>, vector<1x1024x128xf32>
    %get3A_3 = vector.shape_cast %get3A_2 : vector<1x1024x128xf32> to vector<1024x128xf32>
    %get3A_4 = arith.constant 1 : index
    %get3A_5 = arith.constant 0 : index
    %get3A_6 = arith.constant 0 : index
    %get3A_7 = vector.load %arg1[%get3A_4, %get3A_5, %get3A_6] : memref<2x1024x128xf32, #tpu.memory_space<vmem>>, vector<1x1024x128xf32>
    %get3A_8 = vector.shape_cast %get3A_7 : vector<1x1024x128xf32> to vector<1024x128xf32>
    %add3A = arith.addf %get3A_3, %get3A_8 : vector<1024x128xf32>
    %get3A_9 = arith.constant 0 : index
    %get3A_10 = arith.constant 0 : index
    %get3A_11 = vector.load %arg2[%get3A_9, %get3A_10] : memref<1024x128xf32, #tpu.memory_space<vmem>>, vector<1024x128xf32>
    %add3A_12 = arith.addf %add3A, %get3A_11 : vector<1024x128xf32>
    %swap3A = arith.constant 0 : index
    %swap3A_13 = arith.constant 0 : index
    %swap3A_14 = vector.load %arg3[%swap3A, %swap3A_13] : memref<1024x128xf32, #tpu.memory_space<vmem>>, vector<1024x128xf32>
    tpu.vector_store %arg3[%swap3A, %swap3A_13], %add3A_12 {strides = array<i32>} : memref<1024x128xf32, #tpu.memory_space<vmem>>, vector<1024x128xf32>,
    return
  }
  func.func @transform_0(%arg0: i32) -> (i32, i32, i32) {
    %c0_i32 = arith.constant 0 : i32
    %c0_i32_0 = arith.constant 0 : i32
    %c0_i32_1 = arith.constant 0 : i32
    return %c0_i32, %arg0, %c0_i32_0 : i32, i32, i32
  }
  func.func @transform_1(%arg0: i32) -> (i32, i32) {
    %c0_i32 = arith.constant 0 : i32
    %c0_i32_0 = arith.constant 0 : i32
    return %arg0, %c0_i32 : i32, i32
  }
  func.func @transform_2(%arg0: i32) -> (i32, i32) {
    %c0_i32 = arith.constant 0 : i32
    %c0_i32_0 = arith.constant 0 : i32
    return %arg0, %c0_i32 : i32, i32
  }
}

</mosaic_0001>

<sc_bundles>
// kernel: kernel.5.cloned.1.call-start
scs
__scs_entry_jumppad:
0x0: {  	(pc) =	sbr.rel $0x88, $3  }
0x1: {  	(tag) =	ssettag $0x0;
	lr =	simm.s32 $0x1  }
0x2: {  	[smem:$0x3F97] =	sst lr;
	_ =	strace $0xD0000000  }
0x3: {  	_ = 	snop  }
0x4: {  	_ = 	snop  }
0x5: {  	_ = 	snop  }
0x6: {  	_ = 	snop  }
0x7: {  	_ = 	snop  }
__scs_overlays_trampoline_lowered:
0x8: {  	[smem:$0x3FA6] =	sst s0  }
0x9: {  	[smem:$0x3FA7] =	sst s1  }
0xa: {  	[smem:$0x3FA8] =	sst s2  }
0xb: {  	[smem:$0x3FA9] =	sst s3  }
0xc: {  	[smem:$0x3FAA] =	sst s4  }
0xd: {  	[smem:$0x3FAB] =	sst s5  }
0xe: {  	[smem:$0x3FAC] =	sst s6  }
0xf: {  	[smem:$0x3FAD] =	sst s7  }
0x10: {  	[smem:$0x3FAE] =	sst s8  }
0x11: {  	[smem:$0x3FAF] =	sst s9;
	s0 =	simm.s32 @!p0 $0x0  }
0x12: {  	s1 =	sld [smem:$0x3F95];
	s0 =	simm.s32 @p0 $0x1  }
0x13: {  	[smem:$0x3FB0] =	sst s0;
	s0 =	simm.s32 @!p1 $0x0  }
0x14: {  	s2 =	sld [smem:$0x3F94];
	s0 =	simm.s32 @p1 $0x1  }
0x15: {  	[smem:$0x3FB1] =	sst s0;
	s0 =	simm.s32 @!p2 $0x0  }
0x16: {  	s3 =	sld [smem:$0x3FDB];
	s0 =	simm.s32 @p2 $0x1  }
0x17: {  	s4 =	simm.s32 $0x1BF5;
	[smem:$0x3FB3] =	sst s0  }
0x18: {  	s0 =	sld [smem:$0x3F96];
	_ =	swait.ge [sflag:s4], $0x0  }
0x19: {  	s7 =	sld [smem:$0x3F97]  }
0x1a: {  	s8 =	sadd.s32 $0xFFFFE003, lr  }
0x1b: {  	s9 =	sadd.s32 $0xFFFFFEF7, lr;
	s5 =	simm.s32 $0xFFFFFFFF;
	p2 =	slt.u32 s8, $0xFFFFF086  }
0x1c: {  	p1 =	slt.u32 s9, $0xF7A;
	s5 =	simm.s32 @!p2 $0x0  }
0x1d: {  	s5 =	simm.s32 @p1 $0x1;
	p0 =	seq.s32 s7, s2  }
0x1e: {  	s7 =	smul.u32 @!p0 $0xF7A, s2;
	p2 =	seq.s32 @!p0 s5, $0x0  }
0x1f: {  	s9 =	smul.u32 $0xF7A, s1;
	s8 =	simm.s32 @!p0 $0x1BF5;
	p2 =	por !p2, p0  }
0x20: {  	[sflag:s8] =	ssyncset.s32 @!p0 $0xFFFFF086;
	s6 =	sadd.s32 @!p0 s3, s7;
	s7 =	simm.s32 @!p0 $0x108  }
0x21: {  	s3 =	sadd.s32 s3, s9;
	s6 =	sadd.s32 @!p0 $0x88, s6;
	s7 =	simm.s32 @p2 $0x1082  }
0x22: {  	[simem:s7], [sflag:s8] =	dma.local @!p0 [hbm:s6], $0xF7A  }
0x23: {  	s9 =	sor.u32 $0xD0000000, s2;
	s6 =	simm.s32 $0x108;
	_ =	swait.ge @!p0 [sflag:s8], $0x0  }
0x24: {  	s3 =	sadd.s32 $0x88, s3;
	s6 =	simm.s32 @!p1 $0x1082;
	[sflag:s4] =	ssyncset.s32 $0xFFFFF086  }
0x25: {  	[simem:s6], [sflag:s4] =	dma.local [hbm:s3], $0xF7A  }
0x26: {  	[smem:$0x3F97] =	sst s1;
	(tag) =	ssettag s2;
	_ =	strace s9  }
0x27: {  	s1 =	sld [smem:$0x3FA7]  }
0x28: {  	s2 =	sld [smem:$0x3FA8]  }
0x29: {  	s4 =	sld [smem:$0x3FAA]  }
0x2a: {  	p0 =	seq.s32 s5, $0x0;
	s5 =	sld [smem:$0x3FAB]  }
0x2b: {  	s6 =	sld [smem:$0x3FAC]  }
0x2c: {  	s7 =	sld [smem:$0x3FAD]  }
0x2d: {  	s3 =	simm.s32 $0x108;
	s8 =	sld [smem:$0x3FAE]  }
0x2e: {  	s3 =	simm.s32 @!p0 $0x1082;
	s9 =	sld [smem:$0x3FAF]  }
0x2f: {  	lr =	sadd.s32 s0, s3;
	s0 =	sld [smem:$0x3FA6]  }
0x30: {  	s3 =	sld [smem:$0x3FA9]  }
0x31: {  	[smem:$0x3FB2] =	sst s10  }
0x32: {  	s10 =	sld [smem:$0x3FB0];
	_ =	sdelay $0x3  }
0x33: {  	p0 =	seq.s32 s10, $0x1;
	s10 =	sld [smem:$0x3FB2];
	_ =	sdelay $0x3  }
0x34: {  	[smem:$0x3FB2] =	sst s10  }
0x35: {  	s10 =	sld [smem:$0x3FB1];
	_ =	sdelay $0x3  }
0x36: {  	p1 =	seq.s32 s10, $0x1;
	s10 =	sld [smem:$0x3FB2];
	_ =	sdelay $0x3  }
0x37: {  	[smem:$0x3FB2] =	sst s10  }
0x38: {  	s10 =	sld [smem:$0x3FB3]  }
0x39: {  	_ = 	snop;
	(pc) =	sbr.ind lr, $3  }
0x3a: {  	_ = 	snop  }
0x3b: {  	_ = 	snop  }
0x3c: {  	p2 =	seq.s32 s10, $0x1;
	s10 =	sld [smem:$0x3FB2]  }
0x3d: {  	_ =	shalt  }
0x3e: {  	_ =	shalt  }
0x3f: {  	_ =	shalt  }
0x40: {  	_ =	shalt  }
0x41: {  	_ =	shalt  }
0x42: {  	_ =	shalt  }
0x43: {  	_ =	shalt  }
0x44: {  	_ =	shalt  }
0x45: {  	_ =	shalt  }
0x46: {  	_ =	shalt  }
0x47: {  	_ =	shalt  }
0x48: {  	_ =	shalt  }
0x49: {  	_ =	shalt  }
0x4a: {  	_ =	shalt  }
0x4b: {  	_ =	shalt  }
0x4c: {  	_ =	shalt  }
0x4d: {  	_ =	shalt  }
0x4e: {  	_ =	shalt  }
0x4f: {  	_ =	shalt  }
0x50: {  	_ =	shalt  }
0x51: {  	_ =	shalt  }
0x52: {  	_ =	shalt  }
0x53: {  	_ =	shalt  }
0x54: {  	_ =	shalt  }
0x55: {  	_ =	shalt  }
0x56: {  	_ =	shalt  }
0x57: {  	_ =	shalt  }
0x58: {  	_ =	shalt  }
0x59: {  	_ =	shalt  }
0x5a: {  	_ =	shalt  }
0x5b: {  	_ =	shalt  }
0x5c: {  	_ =	shalt  }
0x5d: {  	_ =	shalt  }
0x5e: {  	_ =	shalt  }
0x5f: {  	_ =	shalt  }
0x60: {  	_ =	shalt  }
0x61: {  	_ =	shalt  }
0x62: {  	_ =	shalt  }
0x63: {  	_ =	shalt  }
0x64: {  	_ =	shalt  }
0x65: {  	_ =	shalt  }
0x66: {  	_ =	shalt  }
0x67: {  	_ =	shalt  }
0x68: {  	_ =	shalt  }
0x69: {  	_ =	shalt  }
0x6a: {  	_ =	shalt  }
0x6b: {  	_ =	shalt  }
0x6c: {  	_ =	shalt  }
0x6d: {  	_ =	shalt  }
0x6e: {  	_ =	shalt  }
0x6f: {  	_ =	shalt  }
0x70: {  	_ =	shalt  }
0x71: {  	_ =	shalt  }
0x72: {  	_ =	shalt  }
0x73: {  	_ =	shalt  }
0x74: {  	_ =	shalt  }
0x75: {  	_ =	shalt  }
0x76: {  	_ =	shalt  }
0x77: {  	_ =	shalt  }
0x78: {  	_ =	shalt  }
0x79: {  	_ =	shalt  }
0x7a: {  	_ =	shalt  }
0x7b: {  	_ =	shalt  }
0x7c: {  	_ =	shalt  }
0x7d: {  	_ =	shalt  }
0x7e: {  	_ =	shalt  }
0x7f: {  	_ =	shalt  }
0x80: {  	_ =	shalt  }
0x81: {  	_ =	shalt  }
0x82: {  	_ =	shalt  }
0x83: {  	_ =	shalt  }
0x84: {  	_ =	shalt  }
0x85: {  	_ =	shalt  }
0x86: {  	_ =	shalt  }
0x87: {  	_ =	shalt  }
.Lfunc_end0:
.L_simem_size_0:
called_computation_lowered:
.L_overlay_start_0:
0x88: {  	s2 =	sld [smem:$0x3FD9]  }
0x89: {  	s3 =	sld [smem:$0x3FFE];
	_ =	sdelay $0x1  }
0x8a: {  	s1 =	srdreg.scid  }
0x8b: {  	s0 =	sand.u32 $0x1, s1  }
0x8c: {  	s16 =	sshll.u32 s0, $0xA;
	s2 =	sadd.s32 s3, s2  }
0x8d: {  	s2 =	sadd.s32 s2, s16  }
0x8e: {  	[smem:$0x3FBE] =	sst s2  }
0x8f: {  	_ = 	snop  }
0x90: {  	(tm) =	ssettm $0x1  }
0x91: {  	s17 =	sld [smem:$0x3FFB];
	_ =	sdelay $0x3  }
0x92: {  	_ =	strace s17  }
0x93: {  	s2 =	sld [smem:$0x3FFC];
	_ =	sdelay $0x3  }
0x94: {  	_ =	strace s2  }
0x95: {  	s2 =	sld [smem:$0x3FFD];
	_ =	sdelay $0x3  }
0x96: {  	_ =	strace s2  }
0x97: {  	_ =	strace $0x8FFFFFFF  }
0x98: {  	s18 =	sld [smem:$0x3FDB];
	_ =	sdelay $0x1  }
0x99: {  	s19 =	simm.s32 $_scs_section_size  }
0x9a: {  	s4 =	simm.s32 $_size__tile_overlayer_lowered;
	s5 =	simm.s32 $_tile_overlayer_lowered  }
0x9b: {  	s22 =	simm.s32 $0x1BFF;
	s21 =	sshll.u32 s5, $0x1;
	s2 =	sadd.s32 s19, s18  }
0x9c: {  	s6 =	simm.s32 $0x0;
	s20 =	sshll.u32 s4, $0x1;
	s4 =	sadd.s32 s21, s2  }
0x9d: {  	[timem:s6], [sflag:s22] =	dma.local [hbm:s4], s20  }
0x9e: {  	_ =	swait.ge [sflag:s22], s20  }
0x9f: {  	s3 =	ssub.s32 $0x0, s20;
	[sflag:s22] =	ssyncset.done $0x0  }
0xa0: {  	[sflag:s22] =	ssyncadd.s32 s3;
	_ =	sdelay $0x1  }
0xa1: {  	s23 =	simm.s32 $0x1B8B  }
0xa2: {  	_ =	swait.ge [sflag:s23], $0x1  }
0xa3: {  	[sflag:s23] =	ssyncset.done $0x0  }
0xa4: {  	s25 =	simm.s32 $0x1B8E;
	s24 =	sld [smem:$0x3FFE];
	[sflag:s23] =	ssyncadd.s32 $0xFFFFFFFF  }
0xa5: {  	s26 =	simm.s32 $execute0_lowered;
	[smem:$0x3FD2] =	sst s25  }
0xa6: {  	s4 =	sshll.u32 s26, $0x1;
	_ =	strace $0x80000046;
	[dreg:$0x1] =	wrdreg $0xFFFFFFFF  }
0xa7: {  	s28 =	simm.s32 $_size_execute0_lowered;
	s2 =	sadd.s32 s2, s4;
	[dreg:$0x0] =	wrdreg $0x0  }
0xa8: {  	s4 =	sshll.u32 s28, $0x1;
	[dreg:$0x2] =	wrdreg s2  }
0xa9: {  	[dreg:$0x3] =	wrdreg s4  }
0xaa: {  	[dreg:$0x4] =	wrdreg $0xC0  }
0xab: {  	_ =	task [dreg:s6], $0x5FFFF  }
0xac: {  	[dreg:$0x1] =	wrdreg $0xFFFFFFFF  }
0xad: {  	[dreg:$0x0] =	wrdreg $0x60  }
0xae: {  	[dreg:$0x2] =	wrdreg s24  }
0xaf: {  	[dreg:$0x3] =	wrdreg $0xA1000  }
0xb0: {  	[dreg:$0x4] =	wrdreg $0x9  }
0xb1: {  	_ =	task.clear_ibuf [dreg:s6], $0x5FFFF;
	_ =	strace $0x90000046  }
0xb2: {  	s29 =	simm.s32 $0x9;
	_ =	strace $0x80000048  }
0xb3: {  	_ =	swait.ge [sflag:s29], $0x1  }
0xb4: {  	[sflag:s29] =	ssyncadd.s32 $0xFFFFFFFF  }
0xb5: {  	_ =	strace $0x90000048  }
0xb6: {  	_ =	sfence  }
0xb7: {  	s30 =	sld [smem:$0x0];
	_ =	sdelay $0x2  }
0xb8: {  	s31 =	sshll.u32 s1, $0xD;
	s1 =	sshrl.u32 s1, $0x2  }
0xb9: {  	s3 =	sand.u32 $0x4000, s31;
	s1 =	sadd.s32 s1, s30  }
0xba: {  	s0 =	sor.u32 s3, s0;
	s1 =	sshll.u32 s1, $0x11  }
0xbb: {  	s0 =	sor.u32 s1, s0  }
0xbc: {  	s0 =	sadd.s32 $0x8F2B, s0  }
0xbd: {  	[sflag:s0] =	ssyncadd.remote.s32 $0x1  }
0xbe: {  	_ =	sfence.sel $0xFFFF  }
0xbf: {  	[dreg:$0x0] =	wrdreg $0xFFFFFFFF;
	(pc) =	sbr.abs _section_cstart, $3  }
0xc0: {  	[dreg:$0x1] =	wrdreg $0xFFFFFFFF  }
0xc1: {  	_ =	task.clear_ibuf [dreg:s6], $0x2FFFF;
	_ =	strace $0x9FFFFFFF  }
0xc2: {  	(tm) =	ssettm $0x7FFFFFFF  }
0xc3: {  	_ =	shalt  }
tec
execute0_lowered:
.L_overlay_start_1:
0x0: {  	(tag) =	ssettag $0x1  }
0x1: {  	s0 =	rddreg [dreg:$0x0]  }
0x2: {  	s1 =	rddreg [dreg:$0x1];
	s2 =	srdreg.scid  }
0x3: {  	s3 =	simm.s32 $0x0;
	s12 =	stileid.u32;
	s2 =	sand.u32 $0x1, s2  }
0x4: {  	[smem:$0x7FF] =	sst s3;
	s7 =	smul.u32 $0x14000, s12;
	s4 =	sadd.s32 $0x51600, s0  }
0x5: {  	s5 =	sadd.s32 $0x79600, s0;
	s10 =	smul.u32 $0x50000, s12;
	s23 =	sshll.u32 s12, $0x1  }
0x6: {  	s6 =	smul.u32 $0x140000, s2;
	s11 =	ssub.s32 $0x2, s2;
	s2 =	sor.u32 s2, s23  }
0x7: {  	s8 =	sadd.s32 $0x29600, s0;
	_ =	strace $0x80000047;
	s26 =	smul.u32 $0x140, s2  }
0x8: {  	s10 =	sshrl.u32 s10, $0x2;
	s24 =	sshrl.u32 s11, $0x1;
	s2 =	smul.u32 $0x1400, s2  }
0x9: {  	s7 =	sadd.s32 s7, s6;
	s6 =	sadd.s32 $0xA1600, s0;
	s25 =	ssub.s32 s11, s24  }
0xa: {  	s9 =	sshrl.u32 s7, $0x3;
	s7 =	sadd.s32 $0x1600, s0;
	s25 =	smax.u32 s25, $0x1  }
0xb: {  	s0 =	sadd.s32 s9, s0;
	s24 =	sadd.s32 s7, s2;
	[dreg:$0x11] =	wrdreg s25  }
0xc: {  	s9 =	sadd.s32 s10, s1;
	s2 =	sadd.s32 s8, s2;
	[dreg:$0xe] =	wrdreg s24  }
0xd: {  	s13 =	sadd.s32 $0x1000, s9;
	[dreg:$0xf] =	wrdreg s2  }
0xe: {  	s14 =	sadd.s32 $0x2000, s9;
	[dreg:$0x3] =	wrdreg s13  }
0xf: {  	s15 =	sadd.s32 $0x3000, s9;
	[dreg:$0x4] =	wrdreg s14  }
0x10: {  	s16 =	sadd.s32 $0x4000, s9;
	[dreg:$0x5] =	wrdreg s15  }
0x11: {  	s12 =	simm.s32 $0x7;
	s17 =	sadd.s32 $0x5000, s9;
	[dreg:$0x6] =	wrdreg s16  }
0x12: {  	s11 =	simm.s32 $0x8100;
	s18 =	sadd.s32 $0x6000, s9;
	[dreg:$0x7] =	wrdreg s17  }
0x13: {  	s19 =	sadd.s32 $0x7000, s9;
	s20 =	sadd.s32 $0x8000, s9;
	[dreg:$0x8] =	wrdreg s18  }
0x14: {  	s21 =	sadd.s32 $0x9000, s9;
	s22 =	sadd.s32 $0xA000, s9;
	[dreg:$0x9] =	wrdreg s19  }
0x15: {  	s23 =	sadd.s32 $0xB000, s9;
	s0 =	sadd.s32 $0xC9600, s0;
	[dreg:$0xa] =	wrdreg s20  }
0x16: {  	s28 =	sadd.s32 $0xD000, s9;
	s29 =	sadd.s32 $0xE000, s9;
	[dreg:$0xb] =	wrdreg s21  }
.Ltmp0:
0x17: {  	s30 =	sadd.s32 $0xF000, s9;
	[dreg:$0xc] =	wrdreg s22;
	(pc) =	sbr.rel .LBB2_1-.Ltmp0, $4  }
0x18: {  	s31 =	sadd.s32 $0x10000, s9;
	s2 =	sadd.s32 $0x12000, s9;
	[dreg:$0xd] =	wrdreg s23  }
0x19: {  	s10 =	sadd.s32 $0x13000, s9;
	s23 =	sor.u32 $0x10, s26;
	[dreg:$0x10] =	wrdreg s0  }
0x1a: {  	s26 =	sadd.s32 $0xC000, s9;
	s0 =	sadd.s32 $0x11000, s9;
	s13 =	simm.s32 $0x5  }
0x1b: {  	v0 =	vimm.f32 $0.0e+00;
	s14 =	simm.s32 $0x6;
	s15 =	simm.s32 $0x20;
	[dreg:$0x12] =	wrdreg s26  }
.LBB2_9:
0x1c: {  	_ =	swait.ge [sflag:s13], $0x1000  }
0x1d: {  	[sflag:s13] =	ssyncset.done $0x0  }
0x1e: {  	[sflag:s13] =	ssyncadd.s32 $0xFFFFF000  }
0x1f: {  	_ =	swait.ge [sflag:s14], $0x1000  }
0x20: {  	[sflag:s14] =	ssyncset.done $0x0  }
0x21: {  	s16 =	stileid.u32;
	[sflag:s14] =	ssyncadd.s32 $0xFFFFF000  }
0x22: {  	s16 =	sshll.u32 s16, $0x6;
	[bflag:$0x0] =	sbarrier.arrive $0xFFFF  }
0x23: {  	s17 =	sshrl.u32 s9, $0x3;
	s16 =	sor.u32 $0x1C07, s16;
	s18 =	rddreg [dreg:$0x10]  }
0x24: {  	[hbm:s18], [sflag:s16] =	dma.local [spmem:s17], $0x2800  }
0x25: {  	_ =	swait.ge [sflag:s12], $0x2800  }
0x26: {  	s3 =	sadd.s32 $0x1, s3;
	s26 =	rddreg [dreg:$0x11]  }
0x27: {  	p0 =	sne.s32 s3, s26  }
.Ltmp1:
0x28: {  	_ = 	snop;
	(pc) =	sbr.rel @!p0 .LBB2_10-.Ltmp1, $3  }
0x29: {  	_ =	sdelay $0x1  }
0x2a: {  	[sflag:s12] =	ssyncset.done $0x0  }
0x2b: {  	[sflag:s12] =	ssyncadd.s32 $0xFFFFD800  }
.LBB2_1:
0x2c: {  	s16 =	simm.s32 $0x0;
	s17 =	simm.s32 $0x200  }
.LBB2_2:
0x2d: {  	p0 =	sne.s32 s17, $0x3E00;
	[tilespmem:s16+$0x8170] =	vst v0  }
0x2e: {  	[tilespmem:s16+$0x8100] =	vst v0  }
0x2f: {  	[tilespmem:s16+$0x8110] =	vst v0  }
.Ltmp2:
0x30: {  	[tilespmem:s16+$0x8120] =	vst v0;
	(pc) =	sbr.rel @p0 .LBB2_2-.Ltmp2, $4  }
0x31: {  	[tilespmem:s16+$0x8130] =	vst v0  }
0x32: {  	[tilespmem:s16+$0x8140] =	vst v0  }
0x33: {  	[tilespmem:s16+$0x8150] =	vst v0  }
0x34: {  	[tilespmem:s16+$0x8160] =	vst v0;
	s16 =	sshra.s32 s17, $0x2;
	s17 =	sadd.s32 $0x200, s17  }
0x35: {  	[tilespmem:s16+$0x8170] =	vst v0  }
0x36: {  	[tilespmem:s16+$0x8100] =	vst v0  }
0x37: {  	[tilespmem:s16+$0x8110] =	vst v0  }
0x38: {  	[tilespmem:s16+$0x8120] =	vst v0  }
0x39: {  	[tilespmem:s16+$0x8130] =	vst v0  }
0x3a: {  	[tilespmem:s16+$0x8140] =	vst v0  }
0x3b: {  	[tilespmem:s16+$0x8150] =	vst v0  }
0x3c: {  	[tilespmem:s16+$0x8160] =	vst v0  }
0x3d: {  	[spmem:s9] =	stream.linear.scatter [tilespmem:s11], [sflag:$0x7], $0x1000, $0x38;
	[tilespmem:$0x1E100] =	vst v63  }
0x3e: {  	_ =	swait.ge [sflag:s12], $0x1000  }
0x3f: {  	[sflag:s12] =	ssyncset.done $0x0  }
0x40: {  	s22 =	rddreg [dreg:$0x3];
	[sflag:s12] =	ssyncadd.s32 $0xFFFFF000  }
0x41: {  	[spmem:s22] =	stream.linear.scatter [tilespmem:s11], [sflag:$0x7], $0x1000, $0x38;
	[tilespmem:$0x1E100] =	vst v63  }
0x42: {  	_ =	swait.ge [sflag:s12], $0x1000  }
0x43: {  	[sflag:s12] =	ssyncset.done $0x0  }
0x44: {  	s24 =	rddreg [dreg:$0x4];
	[sflag:s12] =	ssyncadd.s32 $0xFFFFF000  }
0x45: {  	[spmem:s24] =	stream.linear.scatter [tilespmem:s11], [sflag:$0x7], $0x1000, $0x38;
	[tilespmem:$0x1E100] =	vst v63  }
0x46: {  	_ =	swait.ge [sflag:s12], $0x1000  }
0x47: {  	[sflag:s12] =	ssyncset.done $0x0  }
0x48: {  	s25 =	rddreg [dreg:$0x5];
	[sflag:s12] =	ssyncadd.s32 $0xFFFFF000  }
0x49: {  	[spmem:s25] =	stream.linear.scatter [tilespmem:s11], [sflag:$0x7], $0x1000, $0x38;
	[tilespmem:$0x1E100] =	vst v63  }
0x4a: {  	_ =	swait.ge [sflag:s12], $0x1000  }
0x4b: {  	[sflag:s12] =	ssyncset.done $0x0  }
0x4c: {  	s26 =	rddreg [dreg:$0x6];
	[sflag:s12] =	ssyncadd.s32 $0xFFFFF000  }
0x4d: {  	[spmem:s26] =	stream.linear.scatter [tilespmem:s11], [sflag:$0x7], $0x1000, $0x38;
	[tilespmem:$0x1E100] =	vst v63  }
0x4e: {  	_ =	swait.ge [sflag:s12], $0x1000  }
0x4f: {  	[sflag:s12] =	ssyncset.done $0x0  }
0x50: {  	s17 =	rddreg [dreg:$0x7];
	[sflag:s12] =	ssyncadd.s32 $0xFFFFF000  }
0x51: {  	[spmem:s17] =	stream.linear.scatter [tilespmem:s11], [sflag:$0x7], $0x1000, $0x38;
	[tilespmem:$0x1E100] =	vst v63  }
0x52: {  	_ =	swait.ge [sflag:s12], $0x1000  }
0x53: {  	[sflag:s12] =	ssyncset.done $0x0  }
0x54: {  	s18 =	rddreg [dreg:$0x8];
	[sflag:s12] =	ssyncadd.s32 $0xFFFFF000  }
0x55: {  	[spmem:s18] =	stream.linear.scatter [tilespmem:s11], [sflag:$0x7], $0x1000, $0x38;
	[tilespmem:$0x1E100] =	vst v63  }
0x56: {  	_ =	swait.ge [sflag:s12], $0x1000  }
0x57: {  	[sflag:s12] =	ssyncset.done $0x0  }
0x58: {  	s19 =	rddreg [dreg:$0x9];
	[sflag:s12] =	ssyncadd.s32 $0xFFFFF000  }
0x59: {  	[spmem:s19] =	stream.linear.scatter [tilespmem:s11], [sflag:$0x7], $0x1000, $0x38;
	[tilespmem:$0x1E100] =	vst v63  }
0x5a: {  	_ =	swait.ge [sflag:s12], $0x1000  }
0x5b: {  	[sflag:s12] =	ssyncset.done $0x0  }
0x5c: {  	s20 =	rddreg [dreg:$0xa];
	[sflag:s12] =	ssyncadd.s32 $0xFFFFF000  }
0x5d: {  	[spmem:s20] =	stream.linear.scatter [tilespmem:s11], [sflag:$0x7], $0x1000, $0x38;
	[tilespmem:$0x1E100] =	vst v63  }
0x5e: {  	_ =	swait.ge [sflag:s12], $0x1000  }
0x5f: {  	[sflag:s12] =	ssyncset.done $0x0  }
0x60: {  	s21 =	rddreg [dreg:$0xb];
	[sflag:s12] =	ssyncadd.s32 $0xFFFFF000  }
0x61: {  	[spmem:s21] =	stream.linear.scatter [tilespmem:s11], [sflag:$0x7], $0x1000, $0x38;
	[tilespmem:$0x1E100] =	vst v63  }
0x62: {  	_ =	swait.ge [sflag:s12], $0x1000  }
0x63: {  	[sflag:s12] =	ssyncset.done $0x0  }
0x64: {  	s22 =	rddreg [dreg:$0xc];
	[sflag:s12] =	ssyncadd.s32 $0xFFFFF000  }
0x65: {  	[spmem:s22] =	stream.linear.scatter [tilespmem:s11], [sflag:$0x7], $0x1000, $0x38;
	[tilespmem:$0x1E100] =	vst v63  }
0x66: {  	_ =	swait.ge [sflag:s12], $0x1000  }
0x67: {  	[sflag:s12] =	ssyncset.done $0x0  }
0x68: {  	s24 =	rddreg [dreg:$0xd];
	[sflag:s12] =	ssyncadd.s32 $0xFFFFF000  }
0x69: {  	[spmem:s24] =	stream.linear.scatter [tilespmem:s11], [sflag:$0x7], $0x1000, $0x38;
	[tilespmem:$0x1E100] =	vst v63  }
0x6a: {  	_ =	swait.ge [sflag:s12], $0x1000  }
0x6b: {  	[sflag:s12] =	ssyncset.done $0x0  }
0x6c: {  	s25 =	rddreg [dreg:$0x12];
	[sflag:s12] =	ssyncadd.s32 $0xFFFFF000  }
0x6d: {  	[spmem:s25] =	stream.linear.scatter [tilespmem:s11], [sflag:$0x7], $0x1000, $0x38;
	[tilespmem:$0x1E100] =	vst v63  }
0x6e: {  	_ =	swait.ge [sflag:s12], $0x1000  }
0x6f: {  	[sflag:s12] =	ssyncset.done $0x0  }
0x70: {  	[sflag:s12] =	ssyncadd.s32 $0xFFFFF000  }
0x71: {  	[spmem:s28] =	stream.linear.scatter [tilespmem:s11], [sflag:$0x7], $0x1000, $0x38;
	[tilespmem:$0x1E100] =	vst v63  }
0x72: {  	_ =	swait.ge [sflag:s12], $0x1000  }
0x73: {  	[sflag:s12] =	ssyncset.done $0x0  }
0x74: {  	[sflag:s12] =	ssyncadd.s32 $0xFFFFF000  }
0x75: {  	[spmem:s29] =	stream.linear.scatter [tilespmem:s11], [sflag:$0x7], $0x1000, $0x38;
	[tilespmem:$0x1E100] =	vst v63  }
0x76: {  	_ =	swait.ge [sflag:s12], $0x1000  }
0x77: {  	[sflag:s12] =	ssyncset.done $0x0  }
0x78: {  	[sflag:s12] =	ssyncadd.s32 $0xFFFFF000  }
0x79: {  	[spmem:s30] =	stream.linear.scatter [tilespmem:s11], [sflag:$0x7], $0x1000, $0x38;
	[tilespmem:$0x1E100] =	vst v63  }
0x7a: {  	_ =	swait.ge [sflag:s12], $0x1000  }
0x7b: {  	[sflag:s12] =	ssyncset.done $0x0  }
0x7c: {  	[sflag:s12] =	ssyncadd.s32 $0xFFFFF000  }
0x7d: {  	[spmem:s31] =	stream.linear.scatter [tilespmem:s11], [sflag:$0x7], $0x1000, $0x38;
	[tilespmem:$0x1E100] =	vst v63  }
0x7e: {  	_ =	swait.ge [sflag:s12], $0x1000  }
0x7f: {  	[sflag:s12] =	ssyncset.done $0x0  }
0x80: {  	[sflag:s12] =	ssyncadd.s32 $0xFFFFF000  }
0x81: {  	[spmem:s0] =	stream.linear.scatter [tilespmem:s11], [sflag:$0x7], $0x1000, $0x38;
	[tilespmem:$0x1E100] =	vst v63  }
0x82: {  	_ =	swait.ge [sflag:s12], $0x1000  }
0x83: {  	[sflag:s12] =	ssyncset.done $0x0  }
0x84: {  	[sflag:s12] =	ssyncadd.s32 $0xFFFFF000  }
0x85: {  	[spmem:s2] =	stream.linear.scatter [tilespmem:s11], [sflag:$0x7], $0x1000, $0x38;
	[tilespmem:$0x1E100] =	vst v63  }
0x86: {  	_ =	swait.ge [sflag:s12], $0x1000  }
0x87: {  	[sflag:s12] =	ssyncset.done $0x0  }
0x88: {  	[sflag:s12] =	ssyncadd.s32 $0xFFFFF000  }
0x89: {  	[spmem:s10] =	stream.linear.scatter [tilespmem:s11], [sflag:$0x7], $0x1000, $0x38;
	[tilespmem:$0x1E100] =	vst v63  }
0x8a: {  	_ =	swait.ge [sflag:s12], $0x1000  }
0x8b: {  	[sflag:s12] =	ssyncset.done $0x0  }
0x8c: {  	[sflag:s12] =	ssyncadd.s32 $0xFFFFF000  }
.Ltmp3:
0x8d: {  	[bflag:$0x0] =	sbarrier.arrive $0xFFFF;
	(pc) =	sbr.rel .LBB2_4-.Ltmp3, $4  }
0x8e: {  	s16 =	simm.s32 $0x0;
	s17 =	rddreg [dreg:$0xe]  }
0x8f: {  	[tilespmem:s16], [sflag:$0x1] =	stream.linear.gather [hbm4b:s17+s16], $0x800, $0x38;
	[tilespmem:$0x1E100] =	vst v63  }
0x90: {  	p0 =	por $0x1, $0x1;
	s18 =	simm.s32 $0x1000;
	s26 =	rddreg [dreg:$0xf]  }
0x91: {  	[tilespmem:s18], [sflag:$0x1] =	stream.linear.gather [hbm4b:s26+s16], $0x800, $0x38;
	[tilespmem:$0x1E100] =	vst v63  }
.LBB2_8:
0x92: {  	s16 =	sadd.s32 $0x1, s16  }
0x93: {  	p1 =	sne.s32 s16, $0x141  }
.Ltmp4:
0x94: {  	_ = 	snop;
	(pc) =	sbr.rel @!p1 .LBB2_9-.Ltmp4, $2  }
0x95: {  	_ =	sdelay $0x2  }
0x96: {  	p0 =	por !p0, !p0  }
.LBB2_4:
0x97: {  	s19 =	sand.u32 $0xF, s16;
	p1 =	seq.s32 s16, $0x140  }
0x98: {  	s17 =	sshrl.u32 s16, $0x4;
	p2 =	sne.s32 @!p1 s19, $0x0  }
0x99: {  	s18 =	sand.u32 $0x1, s17;
	p2 =	por p2, p1  }
0x9a: {  	s20 =	sadd.s32 @!p2 $0x1, s18  }
0x9b: {  	_ =	swait.ge @!p2 [sflag:s20], $0x800  }
0x9c: {  	s17 =	sand.u32 $0x1, s16;
	[sflag:s20] =	ssyncset.done @!p2 $0x0  }
0x9d: {  	s24 =	sshll.u32 @!p1 s19, $0x7;
	s26 =	simm.s32 @!p1 $0x20;
	[sflag:s20] =	ssyncadd.s32 @!p2 $0xFFFFF800  }
0x9e: {  	s21 =	sshll.u32 @!p1 s17, $0xC;
	s22 =	sshll.u32 @!p1 s18, $0xB;
	_ =	swait.ge @!p2 [sflag:s20], $0x800  }
0x9f: {  	s25 =	sadd.s32 @!p1 $0x3, s17;
	s22 =	sor.u32 @!p1 s24, s22;
	[sflag:s20] =	ssyncset.done @!p2 $0x0  }
0xa0: {  	s24 =	sor.u32 @!p1 $0x1000, s22;
	[sflag:s20] =	ssyncadd.s32 @!p2 $0xFFFFF800;
	s20 =	sor.u32 @!p1 $0x2100, s21  }
0xa1: {  	[tilespmem:s20], [sflag:s25] =	stream.indirect.gather @!p1 [hbm4b:s4+s26], $0x80, s24, s26, $0xb8;
	[tilespmem:$0x1E100] =	vst v63  }
0xa2: {  	s20 =	sor.u32 @!p1 $0x4100, s21  }
0xa3: {  	[tilespmem:s20], [sflag:s25] =	stream.indirect.gather @!p1 [hbm4b:s5+s26], $0x80, s22, s26, $0xb8;
	[tilespmem:$0x1E100] =	vst v63  }
0xa4: {  	p2 =	seq.s32 @!p1 s16, $0x0;
	s20 =	sor.u32 @!p1 $0x6100, s21  }
0xa5: {  	[tilespmem:s20], [sflag:s25] =	stream.indirect.gather @!p1 [hbm4b:s6+s26], $0x80, s22, s26, $0xb8;
	[tilespmem:$0x1E100] =	vst v63  }
0xa6: {  	p1 =	por p1, !p2  }
.Ltmp5:
0xa7: {  	_ = 	snop;
	(pc) =	sbr.rel @!p1 .LBB2_8-.Ltmp5, $1  }
0xa8: {  	_ =	sdelay $0x3  }
0xa9: {  	s17 =	sxor.u32 $0x1, s17  }
0xaa: {  	s20 =	sadd.s32 $0x3, s17  }
0xab: {  	_ =	swait.ge [sflag:s20], $0x1000  }
0xac: {  	p1 =	sgt.u32 s16, $0x12F;
	[sflag:s20] =	ssyncset.done $0x0  }
0xad: {  	p2 =	sne.s32 @!p1 s19, $0x1;
	[sflag:s20] =	ssyncadd.s32 $0xFFFFF000  }
0xae: {  	p1 =	por p2, p1;
	_ =	swait.ge [sflag:s20], $0x1000  }
0xaf: {  	s19 =	sand.u32 @!p1 $0x1F0, s16;
	[sflag:s20] =	ssyncset.done $0x0  }
0xb0: {  	s19 =	sadd.s32 @!p1 s19, s23;
	[sflag:s20] =	ssyncadd.s32 $0xFFFFF000  }
0xb1: {  	s18 =	sxor.u32 @!p1 $0x1, s18;
	s19 =	sshll.u32 @!p1 s19, $0x4;
	_ =	swait.ge [sflag:s20], $0x1000  }
0xb2: {  	s22 =	simm.s32 @!p1 $0x0;
	s21 =	sadd.s32 @!p1 s7, s19;
	[sflag:s20] =	ssyncset.done $0x0  }
0xb3: {  	[sflag:s20] =	ssyncadd.s32 $0xFFFFF000;
	s20 =	sadd.s32 @!p1 $0x1, s18;
	s18 =	sshll.u32 @!p1 s18, $0xB  }
0xb4: {  	[tilespmem:s18], [sflag:s20] =	stream.linear.gather @!p1 [hbm4b:s21+s22], $0x800, $0x38;
	[tilespmem:$0x1E100] =	vst v63  }
0xb5: {  	s19 =	sadd.s32 @!p1 s8, s19;
	s18 =	sor.u32 @!p1 $0x1000, s18  }
0xb6: {  	[tilespmem:s18], [sflag:s20] =	stream.linear.gather @!p1 [hbm4b:s19+s22], $0x800, $0x38;
	[tilespmem:$0x1E100] =	vst v63  }
0xb7: {  	p1 =	slt.u32 s16, $0x3  }
0xb8: {  	s18 =	sadd.s32 @!p1 $0x5, s17  }
0xb9: {  	s20 =	sshll.u32 s16, $0x7;
	_ =	swait.ge @!p1 [sflag:s18], $0x1000  }
0xba: {  	s19 =	sadd.s32 $0xF80, s20;
	[sflag:s18] =	ssyncset.done @!p1 $0x0  }
0xbb: {  	s21 =	sand.u32 $0xF80, s19;
	[sflag:s18] =	ssyncadd.s32 @!p1 $0xFFFFF000  }
0xbc: {  	v1 =	vld [tilespmem:s21+$0x1000];
	_ =	sdelay $0x2  }
0xbd: {  	s20 =	simm.s32 $0x1  }
0xbe: {  	s22 =	sshll.u32 s17, $0x7;
	s20 =	simm.s32 @!p0 $0x0  }
0xbf: {  	s20 =	sshll.u32 s20, $0xC;
	[tilespmem:s22+$0x2000] =	vst v1  }
0xc0: {  	s24 =	sor.u32 $0x2140, s20;
	v1 =	vld [tilespmem:s21+$0x1010]  }
0xc1: {  	s25 =	sor.u32 $0x4170, s20;
	v2 =	vmov s24  }
0xc2: {  	v3 =	vmov s25;
	_ =	sdelay $0x2  }
0xc3: {  	s18 =	simm.s32 $0x0;
	[tilespmem:s22+$0x2010] =	vst v1  }
0xc4: {  	v1 =	vld.idx.msk [tilespmem:v2+s18+$0x0 ss:$0x1], $0xffff  }
0xc5: {  	v4 =	vld.idx.msk [tilespmem:v3+s18+$0xFFFFFFD0 ss:$0x1], $0xffff  }
0xc6: {  	v5 =	vld.idx.msk [tilespmem:v2+s18+$0xFFFFFFF0 ss:$0x1], $0xffff  }
0xc7: {  	v6 =	vld.idx.msk [tilespmem:v3+s18+$0xFFFFFFC0 ss:$0x1], $0xffff  }
0xc8: {  	v7 =	vld.idx.msk [tilespmem:v3+s18+$0xFFFFFFA0 ss:$0x1], $0xffff  }
0xc9: {  	v8 =	vld.idx.msk [tilespmem:v2+s18+$0xFFFFFFD0 ss:$0x1], $0xffff  }
0xca: {  	v9 =	vld.idx.msk [tilespmem:v2+s18+$0xFFFFFFC0 ss:$0x1], $0xffff  }
0xcb: {  	v10 =	vld.idx.msk [tilespmem:v3+s18+$0xFFFFFF90 ss:$0x1], $0xffff  }
0xcc: {  	v14 =	vld.idx.msk [tilespmem:v3+s18+$0xFFFFFFF0 ss:$0x1], $0xffff  }
0xcd: {  	v16 =	vld.idx.msk [tilespmem:v2+s18+$0x20 ss:$0x1], $0xffff  }
0xce: {  	v18 =	vld.idx.msk [tilespmem:v2+s18+$0x30 ss:$0x1], $0xffff  }
0xcf: {  	v21 =	vld.idx.msk [tilespmem:v3+s18+$0x0 ss:$0x1], $0xffff;
	_ =	sdelay $0x1  }
0xd0: {  	v11 =	vld.idx.msk [tilespmem:v3+s18+$0xFFFFFFB0 ss:$0x1], $0xffff;
	v5 =	vmul.f32 v6, v5  }
0xd1: {  	s26 =	sor.u32 $0x6170, s20;
	v6 =	vld.idx.msk [tilespmem:v2+s18+$0xFFFFFFE0 ss:$0x1], $0xffff;
	v4 =	vmul.f32 v4, v1;
	v7 =	vmul.f32 v7, v8  }
0xd2: {  	v1 =	vmov s26;
	v9 =	vmul.f32 v10, v9;
	v14 =	vmul.f32 v14, v16  }
0xd3: {  	v8 =	vld.idx.msk [tilespmem:v2+s18+$0x10 ss:$0x1], $0xffff;
	v18 =	vmul.f32 v21, v18;
	v5 =	vmin.f32 v5, $1.000000020e+30;
	v7 =	vmin.f32 v7, $1.000000020e+30  }
0xd4: {  	v4 =	vmin.f32 v4, $1.000000020e+30;
	v9 =	vmin.f32 v9, $1.000000020e+30;
	v13 =	vadd.f32 $1.000000000e+00, v5;
	v5 =	vld.idx.msk [tilespmem:v3+s18+$0xFFFFFFE0 ss:$0x1], $0xffff  }
0xd5: {  	v21 =	vmin.f32 v14, $1.000000020e+30;
	v7 =	vadd.f32 $1.000000000e+00, v7;
	v10 =	vadd.f32 $1.000000000e+00, v4  }
0xd6: {  	v17 =	vadd.f32 $1.000000000e+00, v9;
	v4 =	vsub.s32 $0x7EF127EA, v13;
	v6 =	vmul.f32 v11, v6  }
0xd7: {  	v9 =	vsub.s32 $0x7EF127EA, v7;
	v15 =	vsub.s32 $0x7EF127EA, v10;
	v11 =	vmul.f32 v4, v13  }
0xd8: {  	v19 =	vsub.s32 $0x7EF127EA, v17;
	v12 =	vmul.f32 v9, v7;
	v20 =	vmul.f32 v15, v10  }
0xd9: {  	v6 =	vmin.f32 v6, $1.000000020e+30;
	v11 =	vsub.f32 $2.000000000e+00, v11;
	v5 =	vmul.f32 v5, v8  }
0xda: {  	v8 =	vadd.f32 $1.000000000e+00, v6;
	v6 =	vmul.f32 v19, v17;
	v22 =	vsub.f32 $2.000000000e+00, v12  }
0xdb: {  	v20 =	vsub.f32 $2.000000000e+00, v20;
	v23 =	vmin.f32 v5, $1.000000020e+30;
	v5 =	vmul.f32 v4, v11  }
0xdc: {  	v11 =	vsub.f32 $2.000000000e+00, v6;
	v24 =	vmul.f32 v9, v22;
	v6 =	vadd.f32 $1.000000000e+00, v23  }
0xdd: {  	v18 =	vmin.f32 v18, $1.000000020e+30;
	v12 =	vsub.s32 $0x7EF127EA, v8;
	v9 =	vmul.f32 v15, v20  }
0xde: {  	s20 =	sor.u32 $0x8170, s20;
	v15 =	vmul.f32 v19, v11;
	v7 =	vmul.f32 v24, v7;
	v11 =	vsub.s32 $0x7EF127EA, v6  }
0xdf: {  	v4 =	vmov s20;
	v20 =	vmul.f32 v9, v10;
	v14 =	vmul.f32 v11, v6  }
0xe0: {  	v10 =	vadd.f32 $1.000000000e+00, v18;
	v18 =	vld.idx.msk [tilespmem:v1+s18+$0xFFFFFFA0 ss:$0x1], $0xffff;
	v19 =	vmul.f32 v15, v17;
	v7 =	vsub.f32 $2.000000000e+00, v7  }
0xe1: {  	v16 =	vmul.f32 v12, v8;
	v13 =	vmul.f32 v5, v13;
	v17 =	vld.idx.msk [tilespmem:v1+s18+$0xFFFFFF90 ss:$0x1], $0xffff;
	v14 =	vsub.f32 $2.000000000e+00, v14  }
0xe2: {  	s19 =	sor.u32 $0x2000, s22;
	s20 =	simm.s32 $0x200;
	v22 =	vsub.f32 $2.000000000e+00, v19;
	v19 =	vsub.f32 $2.000000000e+00, v20;
	v20 =	vmul.f32 v7, v24;
	v7 =	vld.idx.msk [tilespmem:v1+s18+$0x0 ss:$0x1], $0xffff  }
.LBB2_6:
0xe3: {  	p1 =	sne.s32 s20, $0x3E00;
	v21 =	vadd.f32 $1.000000000e+00, v21;
	v16 =	vsub.f32 $2.000000000e+00, v16;
	v23 =	vld.idx.msk [tilespmem:v1+s18+$0xFFFFFFF0 ss:$0x1], $0xffff;
	s21 =	smov.u32 s20;
	s20 =	sadd.s32 $0x200, s20  }
0xe4: {  	v15 =	vmul.f32 v22, v15;
	v9 =	vmul.f32 v19, v9;
	v19 =	vld.idx.msk [tilespmem:v1+s18+$0xFFFFFFD0 ss:$0x1], $0xffff  }
0xe5: {  	v24 =	vsub.s32 $0x7EF127EA, v10;
	v22 =	vsub.s32 $0x7EF127EA, v21;
	v12 =	vmul.f32 v12, v16;
	v16 =	vld.idx.msk [tilespmem:v1+s18+$0xFFFFFFE0 ss:$0x1], $0xffff  }
0xe6: {  	v25 =	vmul.f32 v22, v21;
	v26 =	vld.idx.msk [tilespmem:v1+s18+$0xFFFFFFC0 ss:$0x1], $0xffff;
	v15 =	vmul.f32 v15, v17  }
0xe7: {  	v17 =	vmul.f32 v24, v10;
	v18 =	vmul.f32 v20, v18;
	v27 =	vld.idx.msk [tilespmem:v1+s18+$0xFFFFFFB0 ss:$0x1], $0xffff  }
0xe8: {  	v8 =	vmul.f32 v12, v8;
	v20 =	vsub.f32 $2.000000000e+00, v25;
	[tilespmem:v4+s18+$0xFFFFFF90 ss:$0x1] =	vst.idx.msk $0xffff, v15  }
0xe9: {  	v11 =	vmul.f32 v11, v14;
	v15 =	vsub.f32 $2.000000000e+00, v17;
	[tilespmem:v4+s18+$0xFFFFFFA0 ss:$0x1] =	vst.idx.msk $0xffff, v18  }
0xea: {  	v8 =	vsub.f32 $2.000000000e+00, v8;
	v9 =	vmul.f32 v9, v19;
	v14 =	vmul.f32 v22, v20  }
0xeb: {  	v13 =	vsub.f32 $2.000000000e+00, v13;
	v6 =	vmul.f32 v11, v6;
	v15 =	vmul.f32 v24, v15  }
0xec: {  	v8 =	vmul.f32 v8, v12;
	v17 =	vmul.f32 v14, v21  }
0xed: {  	v5 =	vmul.f32 v13, v5;
	v6 =	vsub.f32 $2.000000000e+00, v6;
	v10 =	vmul.f32 v15, v10  }
0xee: {  	v8 =	vmul.f32 v8, v27;
	v12 =	vsub.f32 $2.000000000e+00, v17  }
0xef: {  	v6 =	vmul.f32 v6, v11;
	v5 =	vmul.f32 v5, v26;
	v10 =	vsub.f32 $2.000000000e+00, v10  }
0xf0: {  	v11 =	vmul.f32 v12, v14;
	[tilespmem:v4+s18+$0xFFFFFFB0 ss:$0x1] =	vst.idx.msk $0xffff, v8  }
0xf1: {  	s21 =	sshra.s32 s21, $0x2;
	v6 =	vmul.f32 v6, v16;
	v8 =	vmul.f32 v10, v15;
	[tilespmem:v4+s18+$0xFFFFFFC0 ss:$0x1] =	vst.idx.msk $0xffff, v5  }
0xf2: {  	v5 =	vmul.f32 v11, v23;
	[tilespmem:v4+s18+$0xFFFFFFD0 ss:$0x1] =	vst.idx.msk $0xffff, v9  }
0xf3: {  	v7 =	vmul.f32 v8, v7;
	[tilespmem:v4+s18+$0xFFFFFFE0 ss:$0x1] =	vst.idx.msk $0xffff, v6  }
0xf4: {  	[tilespmem:v4+s18+$0xFFFFFFF0 ss:$0x1] =	vst.idx.msk $0xffff, v5  }
0xf5: {  	[tilespmem:v4+s18+$0x0 ss:$0x1] =	vst.idx.msk $0xffff, v7;
	s18 =	smov.u32 s21  }
0xf6: {  	v5 =	vld.idx.msk [tilespmem:v2+s18+$0x0 ss:$0x1], $0xffff  }
0xf7: {  	v6 =	vld.idx.msk [tilespmem:v3+s18+$0xFFFFFFD0 ss:$0x1], $0xffff  }
0xf8: {  	v7 =	vld.idx.msk [tilespmem:v2+s18+$0xFFFFFFF0 ss:$0x1], $0xffff  }
0xf9: {  	v8 =	vld.idx.msk [tilespmem:v3+s18+$0xFFFFFFC0 ss:$0x1], $0xffff  }
0xfa: {  	v9 =	vld.idx.msk [tilespmem:v3+s18+$0xFFFFFFA0 ss:$0x1], $0xffff  }
0xfb: {  	v10 =	vld.idx.msk [tilespmem:v2+s18+$0xFFFFFFD0 ss:$0x1], $0xffff  }
0xfc: {  	v11 =	vld.idx.msk [tilespmem:v2+s18+$0xFFFFFFC0 ss:$0x1], $0xffff  }
0xfd: {  	v12 =	vld.idx.msk [tilespmem:v3+s18+$0xFFFFFF90 ss:$0x1], $0xffff  }
0xfe: {  	v13 =	vld.idx.msk [tilespmem:v3+s18+$0xFFFFFFB0 ss:$0x1], $0xffff  }
0xff: {  	v7 =	vmul.f32 v8, v7;
	v14 =	vld.idx.msk [tilespmem:v2+s18+$0xFFFFFFE0 ss:$0x1], $0xffff  }
0x100: {  	v5 =	vmul.f32 v6, v5;
	v8 =	vld.idx.msk [tilespmem:v2+s18+$0x10 ss:$0x1], $0xffff  }
0x101: {  	v9 =	vmul.f32 v9, v10;
	v7 =	vmin.f32 v7, $1.000000020e+30;
	v6 =	vld.idx.msk [tilespmem:v3+s18+$0xFFFFFFE0 ss:$0x1], $0xffff  }
0x102: {  	v7 =	vadd.f32 $1.000000000e+00, v7  }
0x103: {  	v5 =	vmin.f32 v5, $1.000000020e+30;
	v10 =	vmul.f32 v12, v11;
	v9 =	vmin.f32 v9, $1.000000020e+30  }
0x104: {  	v18 =	vadd.f32 $1.000000000e+00, v5;
	v17 =	vadd.f32 $1.000000000e+00, v9;
	v5 =	vsub.s32 $0x7EF127EA, v7;
	v11 =	vld.idx.msk [tilespmem:v3+s18+$0xFFFFFFF0 ss:$0x1], $0xffff  }
0x105: {  	v10 =	vmin.f32 v10, $1.000000020e+30;
	v12 =	vmul.f32 v13, v14;
	v13 =	vmul.f32 v5, v7;
	v9 =	vld.idx.msk [tilespmem:v2+s18+$0x20 ss:$0x1], $0xffff  }
0x106: {  	v16 =	vsub.s32 $0x7EF127EA, v18;
	v10 =	vadd.f32 $1.000000000e+00, v10;
	v15 =	vsub.s32 $0x7EF127EA, v17;
	v14 =	vld.idx.msk [tilespmem:v2+s18+$0x30 ss:$0x1], $0xffff  }
0x107: {  	v12 =	vmin.f32 v12, $1.000000020e+30;
	v19 =	vmul.f32 v15, v17;
	v13 =	vsub.f32 $2.000000000e+00, v13  }
0x108: {  	v22 =	vmul.f32 v16, v18;
	v6 =	vmul.f32 v6, v8;
	v21 =	vsub.s32 $0x7EF127EA, v10;
	v20 =	vld.idx.msk [tilespmem:v3+s18+$0x0 ss:$0x1], $0xffff  }
0x109: {  	v8 =	vadd.f32 $1.000000000e+00, v12;
	v23 =	vmul.f32 v21, v10;
	v19 =	vsub.f32 $2.000000000e+00, v19  }
0x10a: {  	v22 =	vsub.f32 $2.000000000e+00, v22;
	v6 =	vmin.f32 v6, $1.000000020e+30;
	v5 =	vmul.f32 v5, v13  }
0x10b: {  	v12 =	vsub.s32 $0x7EF127EA, v8;
	v13 =	vsub.f32 $2.000000000e+00, v23;
	v23 =	vmul.f32 v15, v19  }
0x10c: {  	v6 =	vadd.f32 $1.000000000e+00, v6;
	v19 =	vmul.f32 v11, v9;
	v9 =	vmul.f32 v16, v22  }
0x10d: {  	v16 =	vmul.f32 v12, v8;
	v15 =	vmul.f32 v21, v13  }
.Ltmp6:
0x10e: {  	v11 =	vsub.s32 $0x7EF127EA, v6;
	v13 =	vmul.f32 v20, v14;
	v14 =	vmul.f32 v23, v17;
	(pc) =	sbr.rel @p1 .LBB2_6-.Ltmp6, $4  }
0x10f: {  	v21 =	vmin.f32 v19, $1.000000020e+30;
	v19 =	vmul.f32 v11, v6;
	v20 =	vmul.f32 v15, v10  }
0x110: {  	v24 =	vmul.f32 v9, v18;
	v10 =	vmin.f32 v13, $1.000000020e+30;
	v25 =	vsub.f32 $2.000000000e+00, v14;
	v17 =	vld.idx.msk [tilespmem:v1+s18+$0xFFFFFF90 ss:$0x1], $0xffff  }
0x111: {  	v14 =	vsub.f32 $2.000000000e+00, v19;
	v13 =	vmul.f32 v5, v7;
	v10 =	vadd.f32 $1.000000000e+00, v10;
	v18 =	vld.idx.msk [tilespmem:v1+s18+$0xFFFFFFA0 ss:$0x1], $0xffff  }
0x112: {  	v19 =	vsub.f32 $2.000000000e+00, v24;
	v22 =	vsub.f32 $2.000000000e+00, v20;
	v20 =	vmul.f32 v25, v23;
	v7 =	vld.idx.msk [tilespmem:v1+s18+$0x0 ss:$0x1], $0xffff  }
0x113: {  	v2 =	vadd.f32 $1.000000000e+00, v21  }
0x114: {  	v3 =	vsub.f32 $2.000000000e+00, v16  }
0x115: {  	v54 =	vsub.s32 $0x7EF127EA, v2  }
0x116: {  	v55 =	vsub.s32 $0x7EF127EA, v10;
	v3 =	vmul.f32 v12, v3;
	v56 =	vmul.f32 v54, v2  }
0x117: {  	v11 =	vmul.f32 v11, v14;
	v57 =	vmul.f32 v55, v10  }
0x118: {  	v13 =	vsub.f32 $2.000000000e+00, v13;
	v8 =	vmul.f32 v3, v8;
	v12 =	vsub.f32 $2.000000000e+00, v56  }
0x119: {  	v58 =	vld.idx.msk [tilespmem:v1+s18+$0xFFFFFFB0 ss:$0x1], $0xffff;
	v15 =	vmul.f32 v22, v15;
	v6 =	vmul.f32 v11, v6;
	v22 =	vsub.f32 $2.000000000e+00, v57  }
0x11a: {  	v59 =	vld.idx.msk [tilespmem:v1+s18+$0xFFFFFFC0 ss:$0x1], $0xffff;
	v5 =	vmul.f32 v13, v5;
	v8 =	vsub.f32 $2.000000000e+00, v8;
	v12 =	vmul.f32 v54, v12  }
0x11b: {  	v60 =	vld.idx.msk [tilespmem:v1+s18+$0xFFFFFFD0 ss:$0x1], $0xffff;
	v15 =	vmul.f32 v15, v17;
	v61 =	vmul.f32 v55, v22  }
0x11c: {  	v62 =	vld.idx.msk [tilespmem:v1+s18+$0xFFFFFFE0 ss:$0x1], $0xffff;
	v3 =	vmul.f32 v8, v3;
	v2 =	vmul.f32 v12, v2  }
0x11d: {  	v1 =	vld.idx.msk [tilespmem:v1+s18+$0xFFFFFFF0 ss:$0x1], $0xffff;
	v18 =	vmul.f32 v20, v18;
	v6 =	vsub.f32 $2.000000000e+00, v6;
	v63 =	vmul.f32 v61, v10  }
0x11e: {  	v9 =	vmul.f32 v19, v9;
	[tilespmem:v4+s18+$0xFFFFFF90 ss:$0x1] =	vst.idx.msk $0xffff, v15;
	v3 =	vmul.f32 v3, v58;
	v2 =	vsub.f32 $2.000000000e+00, v2  }
0x11f: {  	v5 =	vmul.f32 v5, v59;
	[tilespmem:v4+s18+$0xFFFFFFA0 ss:$0x1] =	vst.idx.msk $0xffff, v18;
	v6 =	vmul.f32 v6, v11;
	v8 =	vsub.f32 $2.000000000e+00, v63  }
0x120: {  	v9 =	vmul.f32 v9, v60;
	[tilespmem:v4+s18+$0xFFFFFFB0 ss:$0x1] =	vst.idx.msk $0xffff, v3;
	v2 =	vmul.f32 v2, v12  }
0x121: {  	v6 =	vmul.f32 v6, v62;
	v3 =	vmul.f32 v8, v61;
	[tilespmem:v4+s18+$0xFFFFFFC0 ss:$0x1] =	vst.idx.msk $0xffff, v5  }
.Ltmp7:
0x122: {  	[tilespmem:v4+s18+$0xFFFFFFD0 ss:$0x1] =	vst.idx.msk $0xffff, v9;
	v1 =	vmul.f32 v2, v1;
	(pc) =	sbr.rel .LBB2_8-.Ltmp7, $4  }
0x123: {  	v2 =	vmul.f32 v3, v7;
	[tilespmem:v4+s18+$0xFFFFFFE0 ss:$0x1] =	vst.idx.msk $0xffff, v6  }
0x124: {  	s20 =	sshll.u32 s17, $0xC;
	[tilespmem:v4+s18+$0xFFFFFFF0 ss:$0x1] =	vst.idx.msk $0xffff, v1  }
0x125: {  	s26 =	sadd.s32 $0x5, s17;
	s25 =	sor.u32 $0x8100, s20;
	[tilespmem:v4+s18+$0x0 ss:$0x1] =	vst.idx.msk $0xffff, v2  }
0x126: {  	[spmem:s1] =	stream.indirect.scatter.add.f32 [tilespmem:s25], [sflag:s26], $0x80, s19, s15, $0xb8;
	[tilespmem:$0x1E100] =	vst v63  }
.LBB2_10:
0x127: {  	_ =	sfence.sel $0x180000  }
0x128: {  	[bflag:$0x0] =	sbarrier.arrive $0xFFFF  }
0x129: {  	_ =	strace $0x90000047  }
0x12a: {  	s0 =	stileid.u32;
	[bflag:$0x2] =	sbarrier.arrive $0xFFFF  }
0x12b: {  	p0 =	sne.s32 s0, $0x0;
	s0 =	rddreg [dreg:$0x2]  }
0x12c: {  	s0 =	sadd.s32 @!p0 $0x100000, s0  }
0x12d: {  	[sflag:s0] =	ssyncadd.tile.s32 @!p0 $0x1;
	_ =	shalt  }
.Lfunc_end2:
_tile_overlayer_lowered:
.L_overlay_start_2:
0x12e: {  	(tag) =	ssettag $0x2  }
0x12f: {  	s0 =	rddreg [dreg:$0x0];
	s2 =	stileid.u32  }
0x130: {  	s1 =	rddreg [dreg:$0x1];
	p0 =	sne.s32 s2, $0x0  }
0x131: {  	s3 =	rddreg [dreg:$0x2];
	[bflag:$0x3] =	sbarrier.arrive $0xFFFF;
	s2 =	simm.s32 @!p0 $0x1C07  }
0x132: {  	[timem:s3], [sflag:s2] =	dma.local @!p0 [hbm:s0], s1  }
0x133: {  	s0 =	simm.s32 @!p0 $0x7  }
0x134: {  	_ =	swait.ge @!p0 [sflag:s0], s1  }
0x135: {  	s1 =	ssub.s32 @!p0 $0x0, s1;
	[sflag:s0] =	ssyncset.done @!p0 $0x0  }
0x136: {  	[sflag:s0] =	ssyncadd.s32 @!p0 s1  }
0x137: {  	[bflag:$0x3] =	sbarrier.arrive $0xFFFF  }
0x138: {  	_ =	shalt  }

</sc_bundles>
